<compile_context>
chip_gen: v7x
topology: tpu7x:2x2x1
jax: 0.10.2.dev20260603
libtpu: 0.0.44.dev20260713+nightly
codegen_flags: <defaults>
</compile_context>

<pallas_src>
import functools

import jax
import jax.numpy as jnp
from jax import lax
from jax.experimental import pallas as pl
from jax.experimental.pallas import tpu as pltpu
from jax.experimental.pallas import tpu_sc as plsc

_NUM_WORKERS = 32
_CHUNK = 128
_RCH = 3


_NBUF = 4


def _sc_gather_packed(table2, idx_prep, bsz, nd):
    pack = table2.shape[1]
    bpw = bsz // _NUM_WORKERS
    mesh = plsc.VectorSubcoreMesh(core_axis_name="c", subcore_axis_name="s")

    @functools.partial(
        pl.kernel,
        mesh=mesh,
        out_type=jax.ShapeDtypeStruct((nd * bsz, pack), jnp.float32),
        compiler_params=pltpu.CompilerParams(use_tc_tiling_on_sc=False),
        scratch_types=[
            pltpu.VMEM((nd * bpw,), jnp.int32),
        ]
        + [pltpu.VMEM((_CHUNK, pack), jnp.float32) for _ in range(_NBUF)]
        + [pltpu.SemaphoreType.DMA for _ in range(2 * _NBUF)],
    )
    def gather_kernel(table_hbm, idx_hbm, out_hbm, idxt_v, *rest):
        bufs = rest[:_NBUF]
        gsems = rest[_NBUF : 2 * _NBUF]
        wsems = rest[2 * _NBUF : 3 * _NBUF]
        wid = lax.axis_index("s") * 2 + lax.axis_index("c")
        b0 = wid * bpw
        pltpu.sync_copy(idx_hbm.at[pl.ds(wid * nd * bpw, nd * bpw)], idxt_v)

        gdescs = [None] * nd
        wdescs = [None] * nd
        for d in range(nd):
            s = d % _NBUF
            if d >= _NBUF:
                wdescs[d - _NBUF].wait()
            gdescs[d] = pltpu.async_copy(
                table_hbm.at[idxt_v.at[pl.ds(d * bpw, bpw)]],
                bufs[s],
                gsems[s],
            )
            if d >= 1:
                gdescs[d - 1].wait()
                wdescs[d - 1] = pltpu.async_copy(
                    bufs[(d - 1) % _NBUF],
                    out_hbm.at[pl.ds((d - 1) * bsz + b0, bpw)],
                    wsems[(d - 1) % _NBUF],
                )
        gdescs[nd - 1].wait()
        wdescs[nd - 1] = pltpu.async_copy(
            bufs[(nd - 1) % _NBUF],
            out_hbm.at[pl.ds((nd - 1) * bsz + b0, bpw)],
            wsems[(nd - 1) % _NBUF],
        )
        for d in range(nd - _NBUF, nd):
            wdescs[d].wait()

    return gather_kernel(table2, idx_prep)


def _tc_select_matmul(x3, par, w3, b, bt=4096):
    nd, bsz, pack = x3.shape
    n = w3.shape[2]

    def body(x_ref, p_ref, w_ref, b_ref, o_ref):
        d = pl.program_id(1)
        xb = x_ref[0]
        dmask = lax.broadcasted_iota(jnp.int32, (1, nd), 1) == d
        pf = jnp.sum(p_ref[...] * dmask.astype(jnp.float32), axis=1, keepdims=True)
        sel = jnp.where(pf == 1.0, xb[:, pack // 2 :], xb[:, : pack // 2])
        acc = lax.dot_general(
            sel.astype(jnp.bfloat16), w_ref[0], (((1,), (0,)), ((), ())),
            preferred_element_type=jnp.float32,
        )

        @pl.when(d == 0)
        def _():
            o_ref[...] = b_ref[...] + acc

        @pl.when(d != 0)
        def _():
            o_ref[...] += acc

    return pl.pallas_call(
        body,
        grid=(bsz // bt, nd),
        in_specs=[
            pl.BlockSpec((1, bt, pack), lambda i, d: (d, i, 0)),
            pl.BlockSpec((bt, nd), lambda i, d: (i, 0)),
            pl.BlockSpec((1, pack // 2, n), lambda i, d: (d, 0, 0)),
            pl.BlockSpec((1, n), lambda i, d: (0, 0)),
        ],
        out_specs=pl.BlockSpec((bt, n), lambda i, d: (i, 0)),
        out_shape=jax.ShapeDtypeStruct((bsz, n), jnp.float32),
    )(x3, par, w3, b)


def kernel(input_x, emb_table, W_fc, b_fc):
    bsz, nd = input_x.shape
    vocab, emb = emb_table.shape
    out_dim = W_fc.shape[0]
    total = bsz * nd

    table2 = emb_table.reshape(vocab // 2, 2 * emb)
    bpw = bsz // _NUM_WORKERS
    idx_prep = (
        (input_x >> 1)
        .T.reshape(nd, _NUM_WORKERS, bpw)
        .transpose(1, 0, 2)
        .reshape(total)
    )
    gathered = _sc_gather_packed(table2, idx_prep, bsz, nd)
    x3 = gathered.reshape(nd, bsz, 2 * emb)
    par = (input_x & 1).astype(jnp.float32)
    w3 = W_fc.T.reshape(nd, emb, out_dim).astype(jnp.bfloat16)
    return _tc_select_matmul(x3, par, w3, b_fc.reshape(1, out_dim))

# --- scband reference (transcript-rebuilt; emitter-appended) ---
"""Pipeline reference for scband-graph-net-v1-15212774162991 (READ-ONLY COPY).

The authoritative reference and input builder live on the scoring server;
editing this copy changes nothing except your own understanding.
"""

import jax, jax.numpy as jnp
import numpy as np

VOCAB = 100000
EMB_DIM = 64
NUM_DOMAINS = 26
OUT_DIM = 128
BATCH = 4096


def setup_inputs(seed: int = 0) -> dict:
    key = jax.random.key(seed)
    k1, k2, k3 = jax.random.split(key, 3)
    input_x = jax.random.randint(k1, (BATCH, NUM_DOMAINS), 0, VOCAB, dtype=jnp.int32)
    emb_table = jax.random.normal(k2, (VOCAB, EMB_DIM), dtype=jnp.float32)
    W_fc = jax.random.normal(k3, (OUT_DIM, NUM_DOMAINS * EMB_DIM), dtype=jnp.float32) * 0.02
    b_fc = jnp.zeros((OUT_DIM,), dtype=jnp.float32)
    return {"input_x": input_x, "emb_table": emb_table, "W_fc": W_fc, "b_fc": b_fc}


def reference(input_x, emb_table, W_fc, b_fc):
    # embedding lookup (frozen pretrained table)
    x = jnp.take(emb_table, input_x, axis=0)            # [B, num_domains, emb_dim]
    x = x.reshape(-1, NUM_DOMAINS * EMB_DIM)            # [B, num_domains*emb_dim]
    out = x @ W_fc.T + b_fc                             # [B, out_dim]
    return out

if __name__ == "__main__":
    import jax
    _d = setup_inputs()
    print(jax.jit(kernel)(*tuple(_d.values())))

</pallas_src>

<mosaic_0001>
#map = affine_map<(d0, d1) -> (0, 0)>
#map1 = affine_map<(d0, d1) -> (0)>
module attributes {stable_mosaic.version = 14 : i64} {
  func.func @gather_kernel(%arg0: i32, %arg1: i32, %arg2: memref<50000x128xf32, #tpu.memory_space<hbm>>, %arg3: memref<106496xi32, #tpu.memory_space<hbm>>, %arg4: memref<106496x128xf32, #tpu.memory_space<hbm>>, %arg5: memref<3328xi32, #tpu.memory_space<vmem>>, %arg6: memref<128x128xf32, #tpu.memory_space<vmem>>, %arg7: memref<128x128xf32, #tpu.memory_space<vmem>>, %arg8: memref<128x128xf32, #tpu.memory_space<vmem>>, %arg9: memref<128x128xf32, #tpu.memory_space<vmem>>, %arg10: memref<!tpu.dma_semaphore, #tpu.memory_space<semaphore_mem>>, %arg11: memref<!tpu.dma_semaphore, #tpu.memory_space<semaphore_mem>>, %arg12: memref<!tpu.dma_semaphore, #tpu.memory_space<semaphore_mem>>, %arg13: memref<!tpu.dma_semaphore, #tpu.memory_space<semaphore_mem>>, %arg14: memref<!tpu.dma_semaphore, #tpu.memory_space<semaphore_mem>>, %arg15: memref<!tpu.dma_semaphore, #tpu.memory_space<semaphore_mem>>, %arg16: memref<!tpu.dma_semaphore, #tpu.memory_space<semaphore_mem>>, %arg17: memref<!tpu.dma_semaphore, #tpu.memory_space<semaphore_mem>>) attributes {dimension_semantics = [#tpu.dimension_semantics<core_parallel>, #tpu.dimension_semantics<subcore_parallel>], iteration_bounds = array<i64: 2, 16>, scalar_prefetch = 0 : i64, scratch_operands = 13 : i64, tpu.core_type = #tpu.core_type<sc_vector_subcore>, window_params = [{transform_indices = #map}, {transform_indices = #map1}, {transform_indices = #map}]} {
    %mul3A = arith.constant 2 : i32
    %mul3A_0 = arith.muli %arg1, %mul3A : i32
    %add3A = arith.addi %mul3A_0, %arg0 : i32
    %mul3A_1 = arith.constant 128 : i32
    %mul3A_2 = arith.muli %add3A, %mul3A_1 : i32
    %mul3A_3 = arith.constant 26 : i32
    %mul3A_4 = arith.muli %add3A, %mul3A_3 : i32
    %mul3A_5 = arith.constant 128 : i32
    %mul3A_6 = arith.muli %mul3A_4, %mul3A_5 : i32
    "tpu.region"() ({
      %run_scoped3A = tpu.sem_alloc : memref<!tpu.dma_semaphore, #tpu.memory_space<semaphore_mem>>
      %dma_start3A_525 = tpu.memref_slice %arg3[%mul3A_6] : memref<106496xi32, #tpu.memory_space<hbm>> -> memref<3328xi32, #tpu.memory_space<hbm>>
      %dma_start3A_526 = tpu.memref_slice %arg3[%mul3A_6] : memref<106496xi32, #tpu.memory_space<hbm>> -> memref<3328xi32, #tpu.memory_space<hbm>>
      tpu.enqueue_dma source(%dma_start3A_526 : memref<3328xi32, #tpu.memory_space<hbm>>) target(%arg5 : memref<3328xi32, #tpu.memory_space<vmem>>) target_semaphore(%run_scoped3A : memref<!tpu.dma_semaphore, #tpu.memory_space<semaphore_mem>>)
      %dma_wait3A_527 = tpu.memref_slice %arg3[%mul3A_6] : memref<106496xi32, #tpu.memory_space<hbm>> -> memref<3328xi32, #tpu.memory_space<hbm>>
      %dma_wait3A_528 = tpu.memref_slice %arg3[%mul3A_6] : memref<106496xi32, #tpu.memory_space<hbm>> -> memref<3328xi32, #tpu.memory_space<hbm>>
      tpu.wait_dma2 semaphore(%run_scoped3A : memref<!tpu.dma_semaphore, #tpu.memory_space<semaphore_mem>>) src(%dma_wait3A_528 : memref<3328xi32, #tpu.memory_space<hbm>>) dst(%arg5 : memref<3328xi32, #tpu.memory_space<vmem>>)
      tpu.yield
    }) : () -> ()
    %dma_start3A = arith.constant 0 : i32
    %dma_start3A_7 = tpu.memref_slice %arg5[%dma_start3A] : memref<3328xi32, #tpu.memory_space<vmem>> -> memref<128xi32, #tpu.memory_space<vmem>>
    %dma_start3A_8 = arith.constant 0 : i32
    %dma_start3A_9 = arith.constant 0 : i32
    %dma_start3A_10 = tpu.memref_slice %arg2[%dma_start3A_8, %dma_start3A_9] : memref<50000x128xf32, #tpu.memory_space<hbm>> -> memref<50000x128xf32, #tpu.memory_space<hbm>>
    tpu.enqueue_indirect_dma source(%dma_start3A_10 : memref<50000x128xf32, #tpu.memory_space<hbm>>) target(%arg6 : memref<128x128xf32, #tpu.memory_space<vmem>>) offsets(%dma_start3A_7 : memref<128xi32, #tpu.memory_space<vmem>>) semaphore(%arg10 : memref<!tpu.dma_semaphore, #tpu.memory_space<semaphore_mem>>)
    %dma_start3A_11 = arith.constant 128 : i32
    %dma_start3A_12 = tpu.memref_slice %arg5[%dma_start3A_11] : memref<3328xi32, #tpu.memory_space<vmem>> -> memref<128xi32, #tpu.memory_space<vmem>>
    %dma_start3A_13 = arith.constant 0 : i32
    %dma_start3A_14 = arith.constant 0 : i32
    %dma_start3A_15 = tpu.memref_slice %arg2[%dma_start3A_13, %dma_start3A_14] : memref<50000x128xf32, #tpu.memory_space<hbm>> -> memref<50000x128xf32, #tpu.memory_space<hbm>>
    tpu.enqueue_indirect_dma source(%dma_start3A_15 : memref<50000x128xf32, #tpu.memory_space<hbm>>) target(%arg7 : memref<128x128xf32, #tpu.memory_space<vmem>>) offsets(%dma_start3A_12 : memref<128xi32, #tpu.memory_space<vmem>>) semaphore(%arg11 : memref<!tpu.dma_semaphore, #tpu.memory_space<semaphore_mem>>)
    %dma_wait3A = arith.constant 0 : i32
    %dma_wait3A_16 = tpu.memref_slice %arg5[%dma_wait3A] : memref<3328xi32, #tpu.memory_space<vmem>> -> memref<128xi32, #tpu.memory_space<vmem>>
    %dma_wait3A_17 = arith.constant 0 : i32
    %dma_wait3A_18 = arith.constant 0 : i32
    %dma_wait3A_19 = tpu.memref_slice %arg2[%dma_wait3A_17, %dma_wait3A_18] : memref<50000x128xf32, #tpu.memory_space<hbm>> -> memref<50000x128xf32, #tpu.memory_space<hbm>>
    tpu.wait_indirect_dma semaphore(%arg10 : memref<!tpu.dma_semaphore, #tpu.memory_space<semaphore_mem>>) src(%dma_wait3A_19 : memref<50000x128xf32, #tpu.memory_space<hbm>>) dst(%arg6 : memref<128x128xf32, #tpu.memory_space<vmem>>)
    %add3A_20 = arith.constant 0 : i32
    %add3A_21 = arith.addi %add3A_20, %mul3A_2 : i32
    %dma_start3A_22 = arith.constant 0 : i32
    %dma_start3A_23 = tpu.memref_slice %arg4[%add3A_21, %dma_start3A_22] : memref<106496x128xf32, #tpu.memory_space<hbm>> -> memref<128x128xf32, #tpu.memory_space<hbm>>
    %dma_start3A_24 = arith.constant 0 : i32
    %dma_start3A_25 = tpu.memref_slice %arg4[%add3A_21, %dma_start3A_24] : memref<106496x128xf32, #tpu.memory_space<hbm>> -> memref<128x128xf32, #tpu.memory_space<hbm>>
    tpu.enqueue_dma source(%arg6 : memref<128x128xf32, #tpu.memory_space<vmem>>) target(%dma_start3A_25 : memref<128x128xf32, #tpu.memory_space<hbm>>) target_semaphore(%arg14 : memref<!tpu.dma_semaphore, #tpu.memory_space<semaphore_mem>>)
    %dma_start3A_26 = arith.constant 256 : i32
    %dma_start3A_27 = tpu.memref_slice %arg5[%dma_start3A_26] : memref<3328xi32, #tpu.memory_space<vmem>> -> memref<128xi32, #tpu.memory_space<vmem>>
    %dma_start3A_28 = arith.constant 0 : i32
    %dma_start3A_29 = arith.constant 0 : i32
    %dma_start3A_30 = tpu.memref_slice %arg2[%dma_start3A_28, %dma_start3A_29] : memref<50000x128xf32, #tpu.memory_space<hbm>> -> memref<50000x128xf32, #tpu.memory_space<hbm>>
    tpu.enqueue_indirect_dma source(%dma_start3A_30 : memref<50000x128xf32, #tpu.memory_space<hbm>>) target(%arg8 : memref<128x128xf32, #tpu.memory_space<vmem>>) offsets(%dma_start3A_27 : memref<128xi32, #tpu.memory_space<vmem>>) semaphore(%arg12 : memref<!tpu.dma_semaphore, #tpu.memory_space<semaphore_mem>>)
    %dma_wait3A_31 = arith.constant 128 : i32
    %dma_wait3A_32 = tpu.memref_slice %arg5[%dma_wait3A_31] : memref<3328xi32, #tpu.memory_space<vmem>> -> memref<128xi32, #tpu.memory_space<vmem>>
    %dma_wait3A_33 = arith.constant 0 : i32
    %dma_wait3A_34 = arith.constant 0 : i32
    %dma_wait3A_35 = tpu.memref_slice %arg2[%dma_wait3A_33, %dma_wait3A_34] : memref<50000x128xf32, #tpu.memory_space<hbm>> -> memref<50000x128xf32, #tpu.memory_space<hbm>>
    tpu.wait_indirect_dma semaphore(%arg11 : memref<!tpu.dma_semaphore, #tpu.memory_space<semaphore_mem>>) src(%dma_wait3A_35 : memref<50000x128xf32, #tpu.memory_space<hbm>>) dst(%arg7 : memref<128x128xf32, #tpu.memory_space<vmem>>)
    %add3A_36 = arith.constant 4096 : i32
    %add3A_37 = arith.addi %add3A_36, %mul3A_2 : i32
    %dma_start3A_38 = arith.constant 0 : i32
    %dma_start3A_39 = tpu.memref_slice %arg4[%add3A_37, %dma_start3A_38] : memref<106496x128xf32, #tpu.memory_space<hbm>> -> memref<128x128xf32, #tpu.memory_space<hbm>>
    %dma_start3A_40 = arith.constant 0 : i32
    %dma_start3A_41 = tpu.memref_slice %arg4[%add3A_37, %dma_start3A_40] : memref<106496x128xf32, #tpu.memory_space<hbm>> -> memref<128x128xf32, #tpu.memory_space<hbm>>
    tpu.enqueue_dma source(%arg7 : memref<128x128xf32, #tpu.memory_space<vmem>>) target(%dma_start3A_41 : memref<128x128xf32, #tpu.memory_space<hbm>>) target_semaphore(%arg15 : memref<!tpu.dma_semaphore, #tpu.memory_space<semaphore_mem>>)
    %dma_start3A_42 = arith.constant 384 : i32
    %dma_start3A_43 = tpu.memref_slice %arg5[%dma_start3A_42] : memref<3328xi32, #tpu.memory_space<vmem>> -> memref<128xi32, #tpu.memory_space<vmem>>
    %dma_start3A_44 = arith.constant 0 : i32
    %dma_start3A_45 = arith.constant 0 : i32
    %dma_start3A_46 = tpu.memref_slice %arg2[%dma_start3A_44, %dma_start3A_45] : memref<50000x128xf32, #tpu.memory_space<hbm>> -> memref<50000x128xf32, #tpu.memory_space<hbm>>
    tpu.enqueue_indirect_dma source(%dma_start3A_46 : memref<50000x128xf32, #tpu.memory_space<hbm>>) target(%arg9 : memref<128x128xf32, #tpu.memory_space<vmem>>) offsets(%dma_start3A_43 : memref<128xi32, #tpu.memory_space<vmem>>) semaphore(%arg13 : memref<!tpu.dma_semaphore, #tpu.memory_space<semaphore_mem>>)
    %dma_wait3A_47 = arith.constant 256 : i32
    %dma_wait3A_48 = tpu.memref_slice %arg5[%dma_wait3A_47] : memref<3328xi32, #tpu.memory_space<vmem>> -> memref<128xi32, #tpu.memory_space<vmem>>
    %dma_wait3A_49 = arith.constant 0 : i32
    %dma_wait3A_50 = arith.constant 0 : i32
    %dma_wait3A_51 = tpu.memref_slice %arg2[%dma_wait3A_49, %dma_wait3A_50] : memref<50000x128xf32, #tpu.memory_space<hbm>> -> memref<50000x128xf32, #tpu.memory_space<hbm>>
    tpu.wait_indirect_dma semaphore(%arg12 : memref<!tpu.dma_semaphore, #tpu.memory_space<semaphore_mem>>) src(%dma_wait3A_51 : memref<50000x128xf32, #tpu.memory_space<hbm>>) dst(%arg8 : memref<128x128xf32, #tpu.memory_space<vmem>>)
    %add3A_52 = arith.constant 8192 : i32
    %add3A_53 = arith.addi %add3A_52, %mul3A_2 : i32
    %dma_start3A_54 = arith.constant 0 : i32
    %dma_start3A_55 = tpu.memref_slice %arg4[%add3A_53, %dma_start3A_54] : memref<106496x128xf32, #tpu.memory_space<hbm>> -> memref<128x128xf32, #tpu.memory_space<hbm>>
    %dma_start3A_56 = arith.constant 0 : i32
    %dma_start3A_57 = tpu.memref_slice %arg4[%add3A_53, %dma_start3A_56] : memref<106496x128xf32, #tpu.memory_space<hbm>> -> memref<128x128xf32, #tpu.memory_space<hbm>>
    tpu.enqueue_dma source(%arg8 : memref<128x128xf32, #tpu.memory_space<vmem>>) target(%dma_start3A_57 : memref<128x128xf32, #tpu.memory_space<hbm>>) target_semaphore(%arg16 : memref<!tpu.dma_semaphore, #tpu.memory_space<semaphore_mem>>)
    %dma_wait3A_58 = arith.constant 0 : i32
    %dma_wait3A_59 = tpu.memref_slice %arg4[%add3A_21, %dma_wait3A_58] : memref<106496x128xf32, #tpu.memory_space<hbm>> -> memref<128x128xf32, #tpu.memory_space<hbm>>
    %dma_wait3A_60 = arith.constant 0 : i32
    %dma_wait3A_61 = tpu.memref_slice %arg4[%add3A_21, %dma_wait3A_60] : memref<106496x128xf32, #tpu.memory_space<hbm>> -> memref<128x128xf32, #tpu.memory_space<hbm>>
    tpu.wait_dma2 semaphore(%arg14 : memref<!tpu.dma_semaphore, #tpu.memory_space<semaphore_mem>>) src(%arg6 : memref<128x128xf32, #tpu.memory_space<vmem>>) dst(%dma_wait3A_61 : memref<128x128xf32, #tpu.memory_space<hbm>>)
    %dma_start3A_62 = arith.constant 512 : i32
    %dma_start3A_63 = tpu.memref_slice %arg5[%dma_start3A_62] : memref<3328xi32, #tpu.memory_space<vmem>> -> memref<128xi32, #tpu.memory_space<vmem>>
    %dma_start3A_64 = arith.constant 0 : i32
    %dma_start3A_65 = arith.constant 0 : i32
    %dma_start3A_66 = tpu.memref_slice %arg2[%dma_start3A_64, %dma_start3A_65] : memref<50000x128xf32, #tpu.memory_space<hbm>> -> memref<50000x128xf32, #tpu.memory_space<hbm>>
    tpu.enqueue_indirect_dma source(%dma_start3A_66 : memref<50000x128xf32, #tpu.memory_space<hbm>>) target(%arg6 : memref<128x128xf32, #tpu.memory_space<vmem>>) offsets(%dma_start3A_63 : memref<128xi32, #tpu.memory_space<vmem>>) semaphore(%arg10 : memref<!tpu.dma_semaphore, #tpu.memory_space<semaphore_mem>>)
    %dma_wait3A_67 = arith.constant 384 : i32
    %dma_wait3A_68 = tpu.memref_slice %arg5[%dma_wait3A_67] : memref<3328xi32, #tpu.memory_space<vmem>> -> memref<128xi32, #tpu.memory_space<vmem>>
    %dma_wait3A_69 = arith.constant 0 : i32
    %dma_wait3A_70 = arith.constant 0 : i32
    %dma_wait3A_71 = tpu.memref_slice %arg2[%dma_wait3A_69, %dma_wait3A_70] : memref<50000x128xf32, #tpu.memory_space<hbm>> -> memref<50000x128xf32, #tpu.memory_space<hbm>>
    tpu.wait_indirect_dma semaphore(%arg13 : memref<!tpu.dma_semaphore, #tpu.memory_space<semaphore_mem>>) src(%dma_wait3A_71 : memref<50000x128xf32, #tpu.memory_space<hbm>>) dst(%arg9 : memref<128x128xf32, #tpu.memory_space<vmem>>)
    %add3A_72 = arith.constant 12288 : i32
    %add3A_73 = arith.addi %add3A_72, %mul3A_2 : i32
    %dma_start3A_74 = arith.constant 0 : i32
    %dma_start3A_75 = tpu.memref_slice %arg4[%add3A_73, %dma_start3A_74] : memref<106496x128xf32, #tpu.memory_space<hbm>> -> memref<128x128xf32, #tpu.memory_space<hbm>>
    %dma_start3A_76 = arith.constant 0 : i32
    %dma_start3A_77 = tpu.memref_slice %arg4[%add3A_73, %dma_start3A_76] : memref<106496x128xf32, #tpu.memory_space<hbm>> -> memref<128x128xf32, #tpu.memory_space<hbm>>
    tpu.enqueue_dma source(%arg9 : memref<128x128xf32, #tpu.memory_space<vmem>>) target(%dma_start3A_77 : memref<128x128xf32, #tpu.memory_space<hbm>>) target_semaphore(%arg17 : memref<!tpu.dma_semaphore, #tpu.memory_space<semaphore_mem>>)
    %dma_wait3A_78 = arith.constant 0 : i32
    %dma_wait3A_79 = tpu.memref_slice %arg4[%add3A_37, %dma_wait3A_78] : memref<106496x128xf32, #tpu.memory_space<hbm>> -> memref<128x128xf32, #tpu.memory_space<hbm>>
    %dma_wait3A_80 = arith.constant 0 : i32
    %dma_wait3A_81 = tpu.memref_slice %arg4[%add3A_37, %dma_wait3A_80] : memref<106496x128xf32, #tpu.memory_space<hbm>> -> memref<128x128xf32, #tpu.memory_space<hbm>>
    tpu.wait_dma2 semaphore(%arg15 : memref<!tpu.dma_semaphore, #tpu.memory_space<semaphore_mem>>) src(%arg7 : memref<128x128xf32, #tpu.memory_space<vmem>>) dst(%dma_wait3A_81 : memref<128x128xf32, #tpu.memory_space<hbm>>)
    %dma_start3A_82 = arith.constant 640 : i32
    %dma_start3A_83 = tpu.memref_slice %arg5[%dma_start3A_82] : memref<3328xi32, #tpu.memory_space<vmem>> -> memref<128xi32, #tpu.memory_space<vmem>>
    %dma_start3A_84 = arith.constant 0 : i32
    %dma_start3A_85 = arith.constant 0 : i32
    %dma_start3A_86 = tpu.memref_slice %arg2[%dma_start3A_84, %dma_start3A_85] : memref<50000x128xf32, #tpu.memory_space<hbm>> -> memref<50000x128xf32, #tpu.memory_space<hbm>>
    tpu.enqueue_indirect_dma source(%dma_start3A_86 : memref<50000x128xf32, #tpu.memory_space<hbm>>) target(%arg7 : memref<128x128xf32, #tpu.memory_space<vmem>>) offsets(%dma_start3A_83 : memref<128xi32, #tpu.memory_space<vmem>>) semaphore(%arg11 : memref<!tpu.dma_semaphore, #tpu.memory_space<semaphore_mem>>)
    %dma_wait3A_87 = arith.constant 512 : i32
    %dma_wait3A_88 = tpu.memref_slice %arg5[%dma_wait3A_87] : memref<3328xi32, #tpu.memory_space<vmem>> -> memref<128xi32, #tpu.memory_space<vmem>>
    %dma_wait3A_89 = arith.constant 0 : i32
    %dma_wait3A_90 = arith.constant 0 : i32
    %dma_wait3A_91 = tpu.memref_slice %arg2[%dma_wait3A_89, %dma_wait3A_90] : memref<50000x128xf32, #tpu.memory_space<hbm>> -> memref<50000x128xf32, #tpu.memory_space<hbm>>
    tpu.wait_indirect_dma semaphore(%arg10 : memref<!tpu.dma_semaphore, #tpu.memory_space<semaphore_mem>>) src(%dma_wait3A_91 : memref<50000x128xf32, #tpu.memory_space<hbm>>) dst(%arg6 : memref<128x128xf32, #tpu.memory_space<vmem>>)
    %add3A_92 = arith.constant 16384 : i32
    %add3A_93 = arith.addi %add3A_92, %mul3A_2 : i32
    %dma_start3A_94 = arith.constant 0 : i32
    %dma_start3A_95 = tpu.memref_slice %arg4[%add3A_93, %dma_start3A_94] : memref<106496x128xf32, #tpu.memory_space<hbm>> -> memref<128x128xf32, #tpu.memory_space<hbm>>
    %dma_start3A_96 = arith.constant 0 : i32
    %dma_start3A_97 = tpu.memref_slice %arg4[%add3A_93, %dma_start3A_96] : memref<106496x128xf32, #tpu.memory_space<hbm>> -> memref<128x128xf32, #tpu.memory_space<hbm>>
    tpu.enqueue_dma source(%arg6 : memref<128x128xf32, #tpu.memory_space<vmem>>) target(%dma_start3A_97 : memref<128x128xf32, #tpu.memory_space<hbm>>) target_semaphore(%arg14 : memref<!tpu.dma_semaphore, #tpu.memory_space<semaphore_mem>>)
    %dma_wait3A_98 = arith.constant 0 : i32
    %dma_wait3A_99 = tpu.memref_slice %arg4[%add3A_53, %dma_wait3A_98] : memref<106496x128xf32, #tpu.memory_space<hbm>> -> memref<128x128xf32, #tpu.memory_space<hbm>>
    %dma_wait3A_100 = arith.constant 0 : i32
    %dma_wait3A_101 = tpu.memref_slice %arg4[%add3A_53, %dma_wait3A_100] : memref<106496x128xf32, #tpu.memory_space<hbm>> -> memref<128x128xf32, #tpu.memory_space<hbm>>
    tpu.wait_dma2 semaphore(%arg16 : memref<!tpu.dma_semaphore, #tpu.memory_space<semaphore_mem>>) src(%arg8 : memref<128x128xf32, #tpu.memory_space<vmem>>) dst(%dma_wait3A_101 : memref<128x128xf32, #tpu.memory_space<hbm>>)
    %dma_start3A_102 = arith.constant 768 : i32
    %dma_start3A_103 = tpu.memref_slice %arg5[%dma_start3A_102] : memref<3328xi32, #tpu.memory_space<vmem>> -> memref<128xi32, #tpu.memory_space<vmem>>
    %dma_start3A_104 = arith.constant 0 : i32
    %dma_start3A_105 = arith.constant 0 : i32
    %dma_start3A_106 = tpu.memref_slice %arg2[%dma_start3A_104, %dma_start3A_105] : memref<50000x128xf32, #tpu.memory_space<hbm>> -> memref<50000x128xf32, #tpu.memory_space<hbm>>
    tpu.enqueue_indirect_dma source(%dma_start3A_106 : memref<50000x128xf32, #tpu.memory_space<hbm>>) target(%arg8 : memref<128x128xf32, #tpu.memory_space<vmem>>) offsets(%dma_start3A_103 : memref<128xi32, #tpu.memory_space<vmem>>) semaphore(%arg12 : memref<!tpu.dma_semaphore, #tpu.memory_space<semaphore_mem>>)
    %dma_wait3A_107 = arith.constant 640 : i32
    %dma_wait3A_108 = tpu.memref_slice %arg5[%dma_wait3A_107] : memref<3328xi32, #tpu.memory_space<vmem>> -> memref<128xi32, #tpu.memory_space<vmem>>
    %dma_wait3A_109 = arith.constant 0 : i32
    %dma_wait3A_110 = arith.constant 0 : i32
    %dma_wait3A_111 = tpu.memref_slice %arg2[%dma_wait3A_109, %dma_wait3A_110] : memref<50000x128xf32, #tpu.memory_space<hbm>> -> memref<50000x128xf32, #tpu.memory_space<hbm>>
    tpu.wait_indirect_dma semaphore(%arg11 : memref<!tpu.dma_semaphore, #tpu.memory_space<semaphore_mem>>) src(%dma_wait3A_111 : memref<50000x128xf32, #tpu.memory_space<hbm>>) dst(%arg7 : memref<128x128xf32, #tpu.memory_space<vmem>>)
    %add3A_112 = arith.constant 20480 : i32
    %add3A_113 = arith.addi %add3A_112, %mul3A_2 : i32
    %dma_start3A_114 = arith.constant 0 : i32
    %dma_start3A_115 = tpu.memref_slice %arg4[%add3A_113, %dma_start3A_114] : memref<106496x128xf32, #tpu.memory_space<hbm>> -> memref<128x128xf32, #tpu.memory_space<hbm>>
    %dma_start3A_116 = arith.constant 0 : i32
    %dma_start3A_117 = tpu.memref_slice %arg4[%add3A_113, %dma_start3A_116] : memref<106496x128xf32, #tpu.memory_space<hbm>> -> memref<128x128xf32, #tpu.memory_space<hbm>>
    tpu.enqueue_dma source(%arg7 : memref<128x128xf32, #tpu.memory_space<vmem>>) target(%dma_start3A_117 : memref<128x128xf32, #tpu.memory_space<hbm>>) target_semaphore(%arg15 : memref<!tpu.dma_semaphore, #tpu.memory_space<semaphore_mem>>)
    %dma_wait3A_118 = arith.constant 0 : i32
    %dma_wait3A_119 = tpu.memref_slice %arg4[%add3A_73, %dma_wait3A_118] : memref<106496x128xf32, #tpu.memory_space<hbm>> -> memref<128x128xf32, #tpu.memory_space<hbm>>
    %dma_wait3A_120 = arith.constant 0 : i32
    %dma_wait3A_121 = tpu.memref_slice %arg4[%add3A_73, %dma_wait3A_120] : memref<106496x128xf32, #tpu.memory_space<hbm>> -> memref<128x128xf32, #tpu.memory_space<hbm>>
    tpu.wait_dma2 semaphore(%arg17 : memref<!tpu.dma_semaphore, #tpu.memory_space<semaphore_mem>>) src(%arg9 : memref<128x128xf32, #tpu.memory_space<vmem>>) dst(%dma_wait3A_121 : memref<128x128xf32, #tpu.memory_space<hbm>>)
    %dma_start3A_122 = arith.constant 896 : i32
    %dma_start3A_123 = tpu.memref_slice %arg5[%dma_start3A_122] : memref<3328xi32, #tpu.memory_space<vmem>> -> memref<128xi32, #tpu.memory_space<vmem>>
    %dma_start3A_124 = arith.constant 0 : i32
    %dma_start3A_125 = arith.constant 0 : i32
    %dma_start3A_126 = tpu.memref_slice %arg2[%dma_start3A_124, %dma_start3A_125] : memref<50000x128xf32, #tpu.memory_space<hbm>> -> memref<50000x128xf32, #tpu.memory_space<hbm>>
    tpu.enqueue_indirect_dma source(%dma_start3A_126 : memref<50000x128xf32, #tpu.memory_space<hbm>>) target(%arg9 : memref<128x128xf32, #tpu.memory_space<vmem>>) offsets(%dma_start3A_123 : memref<128xi32, #tpu.memory_space<vmem>>) semaphore(%arg13 : memref<!tpu.dma_semaphore, #tpu.memory_space<semaphore_mem>>)
    %dma_wait3A_127 = arith.constant 768 : i32
    %dma_wait3A_128 = tpu.memref_slice %arg5[%dma_wait3A_127] : memref<3328xi32, #tpu.memory_space<vmem>> -> memref<128xi32, #tpu.memory_space<vmem>>
    %dma_wait3A_129 = arith.constant 0 : i32
    %dma_wait3A_130 = arith.constant 0 : i32
    %dma_wait3A_131 = tpu.memref_slice %arg2[%dma_wait3A_129, %dma_wait3A_130] : memref<50000x128xf32, #tpu.memory_space<hbm>> -> memref<50000x128xf32, #tpu.memory_space<hbm>>
    tpu.wait_indirect_dma semaphore(%arg12 : memref<!tpu.dma_semaphore, #tpu.memory_space<semaphore_mem>>) src(%dma_wait3A_131 : memref<50000x128xf32, #tpu.memory_space<hbm>>) dst(%arg8 : memref<128x128xf32, #tpu.memory_space<vmem>>)
    %add3A_132 = arith.constant 24576 : i32
    %add3A_133 = arith.addi %add3A_132, %mul3A_2 : i32
    %dma_start3A_134 = arith.constant 0 : i32
    %dma_start3A_135 = tpu.memref_slice %arg4[%add3A_133, %dma_start3A_134] : memref<106496x128xf32, #tpu.memory_space<hbm>> -> memref<128x128xf32, #tpu.memory_space<hbm>>
    %dma_start3A_136 = arith.constant 0 : i32
    %dma_start3A_137 = tpu.memref_slice %arg4[%add3A_133, %dma_start3A_136] : memref<106496x128xf32, #tpu.memory_space<hbm>> -> memref<128x128xf32, #tpu.memory_space<hbm>>
    tpu.enqueue_dma source(%arg8 : memref<128x128xf32, #tpu.memory_space<vmem>>) target(%dma_start3A_137 : memref<128x128xf32, #tpu.memory_space<hbm>>) target_semaphore(%arg16 : memref<!tpu.dma_semaphore, #tpu.memory_space<semaphore_mem>>)
    %dma_wait3A_138 = arith.constant 0 : i32
    %dma_wait3A_139 = tpu.memref_slice %arg4[%add3A_93, %dma_wait3A_138] : memref<106496x128xf32, #tpu.memory_space<hbm>> -> memref<128x128xf32, #tpu.memory_space<hbm>>
    %dma_wait3A_140 = arith.constant 0 : i32
    %dma_wait3A_141 = tpu.memref_slice %arg4[%add3A_93, %dma_wait3A_140] : memref<106496x128xf32, #tpu.memory_space<hbm>> -> memref<128x128xf32, #tpu.memory_space<hbm>>
    tpu.wait_dma2 semaphore(%arg14 : memref<!tpu.dma_semaphore, #tpu.memory_space<semaphore_mem>>) src(%arg6 : memref<128x128xf32, #tpu.memory_space<vmem>>) dst(%dma_wait3A_141 : memref<128x128xf32, #tpu.memory_space<hbm>>)
    %dma_start3A_142 = arith.constant 1024 : i32
    %dma_start3A_143 = tpu.memref_slice %arg5[%dma_start3A_142] : memref<3328xi32, #tpu.memory_space<vmem>> -> memref<128xi32, #tpu.memory_space<vmem>>
    %dma_start3A_144 = arith.constant 0 : i32
    %dma_start3A_145 = arith.constant 0 : i32
    %dma_start3A_146 = tpu.memref_slice %arg2[%dma_start3A_144, %dma_start3A_145] : memref<50000x128xf32, #tpu.memory_space<hbm>> -> memref<50000x128xf32, #tpu.memory_space<hbm>>
    tpu.enqueue_indirect_dma source(%dma_start3A_146 : memref<50000x128xf32, #tpu.memory_space<hbm>>) target(%arg6 : memref<128x128xf32, #tpu.memory_space<vmem>>) offsets(%dma_start3A_143 : memref<128xi32, #tpu.memory_space<vmem>>) semaphore(%arg10 : memref<!tpu.dma_semaphore, #tpu.memory_space<semaphore_mem>>)
    %dma_wait3A_147 = arith.constant 896 : i32
    %dma_wait3A_148 = tpu.memref_slice %arg5[%dma_wait3A_147] : memref<3328xi32, #tpu.memory_space<vmem>> -> memref<128xi32, #tpu.memory_space<vmem>>
    %dma_wait3A_149 = arith.constant 0 : i32
    %dma_wait3A_150 = arith.constant 0 : i32
    %dma_wait3A_151 = tpu.memref_slice %arg2[%dma_wait3A_149, %dma_wait3A_150] : memref<50000x128xf32, #tpu.memory_space<hbm>> -> memref<50000x128xf32, #tpu.memory_space<hbm>>
    tpu.wait_indirect_dma semaphore(%arg13 : memref<!tpu.dma_semaphore, #tpu.memory_space<semaphore_mem>>) src(%dma_wait3A_151 : memref<50000x128xf32, #tpu.memory_space<hbm>>) dst(%arg9 : memref<128x128xf32, #tpu.memory_space<vmem>>)
    %add3A_152 = arith.constant 28672 : i32
    %add3A_153 = arith.addi %add3A_152, %mul3A_2 : i32
    %dma_start3A_154 = arith.constant 0 : i32
    %dma_start3A_155 = tpu.memref_slice %arg4[%add3A_153, %dma_start3A_154] : memref<106496x128xf32, #tpu.memory_space<hbm>> -> memref<128x128xf32, #tpu.memory_space<hbm>>
    %dma_start3A_156 = arith.constant 0 : i32
    %dma_start3A_157 = tpu.memref_slice %arg4[%add3A_153, %dma_start3A_156] : memref<106496x128xf32, #tpu.memory_space<hbm>> -> memref<128x128xf32, #tpu.memory_space<hbm>>
    tpu.enqueue_dma source(%arg9 : memref<128x128xf32, #tpu.memory_space<vmem>>) target(%dma_start3A_157 : memref<128x128xf32, #tpu.memory_space<hbm>>) target_semaphore(%arg17 : memref<!tpu.dma_semaphore, #tpu.memory_space<semaphore_mem>>)
    %dma_wait3A_158 = arith.constant 0 : i32
    %dma_wait3A_159 = tpu.memref_slice %arg4[%add3A_113, %dma_wait3A_158] : memref<106496x128xf32, #tpu.memory_space<hbm>> -> memref<128x128xf32, #tpu.memory_space<hbm>>
    %dma_wait3A_160 = arith.constant 0 : i32
    %dma_wait3A_161 = tpu.memref_slice %arg4[%add3A_113, %dma_wait3A_160] : memref<106496x128xf32, #tpu.memory_space<hbm>> -> memref<128x128xf32, #tpu.memory_space<hbm>>
    tpu.wait_dma2 semaphore(%arg15 : memref<!tpu.dma_semaphore, #tpu.memory_space<semaphore_mem>>) src(%arg7 : memref<128x128xf32, #tpu.memory_space<vmem>>) dst(%dma_wait3A_161 : memref<128x128xf32, #tpu.memory_space<hbm>>)
    %dma_start3A_162 = arith.constant 1152 : i32
    %dma_start3A_163 = tpu.memref_slice %arg5[%dma_start3A_162] : memref<3328xi32, #tpu.memory_space<vmem>> -> memref<128xi32, #tpu.memory_space<vmem>>
    %dma_start3A_164 = arith.constant 0 : i32
    %dma_start3A_165 = arith.constant 0 : i32
    %dma_start3A_166 = tpu.memref_slice %arg2[%dma_start3A_164, %dma_start3A_165] : memref<50000x128xf32, #tpu.memory_space<hbm>> -> memref<50000x128xf32, #tpu.memory_space<hbm>>
    tpu.enqueue_indirect_dma source(%dma_start3A_166 : memref<50000x128xf32, #tpu.memory_space<hbm>>) target(%arg7 : memref<128x128xf32, #tpu.memory_space<vmem>>) offsets(%dma_start3A_163 : memref<128xi32, #tpu.memory_space<vmem>>) semaphore(%arg11 : memref<!tpu.dma_semaphore, #tpu.memory_space<semaphore_mem>>)
    %dma_wait3A_167 = arith.constant 1024 : i32
    %dma_wait3A_168 = tpu.memref_slice %arg5[%dma_wait3A_167] : memref<3328xi32, #tpu.memory_space<vmem>> -> memref<128xi32, #tpu.memory_space<vmem>>
    %dma_wait3A_169 = arith.constant 0 : i32
    %dma_wait3A_170 = arith.constant 0 : i32
    %dma_wait3A_171 = tpu.memref_slice %arg2[%dma_wait3A_169, %dma_wait3A_170] : memref<50000x128xf32, #tpu.memory_space<hbm>> -> memref<50000x128xf32, #tpu.memory_space<hbm>>
    tpu.wait_indirect_dma semaphore(%arg10 : memref<!tpu.dma_semaphore, #tpu.memory_space<semaphore_mem>>) src(%dma_wait3A_171 : memref<50000x128xf32, #tpu.memory_space<hbm>>) dst(%arg6 : memref<128x128xf32, #tpu.memory_space<vmem>>)
    %add3A_172 = arith.constant 32768 : i32
    %add3A_173 = arith.addi %add3A_172, %mul3A_2 : i32
    %dma_start3A_174 = arith.constant 0 : i32
    %dma_start3A_175 = tpu.memref_slice %arg4[%add3A_173, %dma_start3A_174] : memref<106496x128xf32, #tpu.memory_space<hbm>> -> memref<128x128xf32, #tpu.memory_space<hbm>>
    %dma_start3A_176 = arith.constant 0 : i32
    %dma_start3A_177 = tpu.memref_slice %arg4[%add3A_173, %dma_start3A_176] : memref<106496x128xf32, #tpu.memory_space<hbm>> -> memref<128x128xf32, #tpu.memory_space<hbm>>
    tpu.enqueue_dma source(%arg6 : memref<128x128xf32, #tpu.memory_space<vmem>>) target(%dma_start3A_177 : memref<128x128xf32, #tpu.memory_space<hbm>>) target_semaphore(%arg14 : memref<!tpu.dma_semaphore, #tpu.memory_space<semaphore_mem>>)
    %dma_wait3A_178 = arith.constant 0 : i32
    %dma_wait3A_179 = tpu.memref_slice %arg4[%add3A_133, %dma_wait3A_178] : memref<106496x128xf32, #tpu.memory_space<hbm>> -> memref<128x128xf32, #tpu.memory_space<hbm>>
    %dma_wait3A_180 = arith.constant 0 : i32
    %dma_wait3A_181 = tpu.memref_slice %arg4[%add3A_133, %dma_wait3A_180] : memref<106496x128xf32, #tpu.memory_space<hbm>> -> memref<128x128xf32, #tpu.memory_space<hbm>>
    tpu.wait_dma2 semaphore(%arg16 : memref<!tpu.dma_semaphore, #tpu.memory_space<semaphore_mem>>) src(%arg8 : memref<128x128xf32, #tpu.memory_space<vmem>>) dst(%dma_wait3A_181 : memref<128x128xf32, #tpu.memory_space<hbm>>)
    %dma_start3A_182 = arith.constant 1280 : i32
    %dma_start3A_183 = tpu.memref_slice %arg5[%dma_start3A_182] : memref<3328xi32, #tpu.memory_space<vmem>> -> memref<128xi32, #tpu.memory_space<vmem>>
    %dma_start3A_184 = arith.constant 0 : i32
    %dma_start3A_185 = arith.constant 0 : i32
    %dma_start3A_186 = tpu.memref_slice %arg2[%dma_start3A_184, %dma_start3A_185] : memref<50000x128xf32, #tpu.memory_space<hbm>> -> memref<50000x128xf32, #tpu.memory_space<hbm>>
    tpu.enqueue_indirect_dma source(%dma_start3A_186 : memref<50000x128xf32, #tpu.memory_space<hbm>>) target(%arg8 : memref<128x128xf32, #tpu.memory_space<vmem>>) offsets(%dma_start3A_183 : memref<128xi32, #tpu.memory_space<vmem>>) semaphore(%arg12 : memref<!tpu.dma_semaphore, #tpu.memory_space<semaphore_mem>>)
    %dma_wait3A_187 = arith.constant 1152 : i32
    %dma_wait3A_188 = tpu.memref_slice %arg5[%dma_wait3A_187] : memref<3328xi32, #tpu.memory_space<vmem>> -> memref<128xi32, #tpu.memory_space<vmem>>
    %dma_wait3A_189 = arith.constant 0 : i32
    %dma_wait3A_190 = arith.constant 0 : i32
    %dma_wait3A_191 = tpu.memref_slice %arg2[%dma_wait3A_189, %dma_wait3A_190] : memref<50000x128xf32, #tpu.memory_space<hbm>> -> memref<50000x128xf32, #tpu.memory_space<hbm>>
    tpu.wait_indirect_dma semaphore(%arg11 : memref<!tpu.dma_semaphore, #tpu.memory_space<semaphore_mem>>) src(%dma_wait3A_191 : memref<50000x128xf32, #tpu.memory_space<hbm>>) dst(%arg7 : memref<128x128xf32, #tpu.memory_space<vmem>>)
    %add3A_192 = arith.constant 36864 : i32
    %add3A_193 = arith.addi %add3A_192, %mul3A_2 : i32
    %dma_start3A_194 = arith.constant 0 : i32
    %dma_start3A_195 = tpu.memref_slice %arg4[%add3A_193, %dma_start3A_194] : memref<106496x128xf32, #tpu.memory_space<hbm>> -> memref<128x128xf32, #tpu.memory_space<hbm>>
    %dma_start3A_196 = arith.constant 0 : i32
    %dma_start3A_197 = tpu.memref_slice %arg4[%add3A_193, %dma_start3A_196] : memref<106496x128xf32, #tpu.memory_space<hbm>> -> memref<128x128xf32, #tpu.memory_space<hbm>>
    tpu.enqueue_dma source(%arg7 : memref<128x128xf32, #tpu.memory_space<vmem>>) target(%dma_start3A_197 : memref<128x128xf32, #tpu.memory_space<hbm>>) target_semaphore(%arg15 : memref<!tpu.dma_semaphore, #tpu.memory_space<semaphore_mem>>)
    %dma_wait3A_198 = arith.constant 0 : i32
    %dma_wait3A_199 = tpu.memref_slice %arg4[%add3A_153, %dma_wait3A_198] : memref<106496x128xf32, #tpu.memory_space<hbm>> -> memref<128x128xf32, #tpu.memory_space<hbm>>
    %dma_wait3A_200 = arith.constant 0 : i32
    %dma_wait3A_201 = tpu.memref_slice %arg4[%add3A_153, %dma_wait3A_200] : memref<106496x128xf32, #tpu.memory_space<hbm>> -> memref<128x128xf32, #tpu.memory_space<hbm>>
    tpu.wait_dma2 semaphore(%arg17 : memref<!tpu.dma_semaphore, #tpu.memory_space<semaphore_mem>>) src(%arg9 : memref<128x128xf32, #tpu.memory_space<vmem>>) dst(%dma_wait3A_201 : memref<128x128xf32, #tpu.memory_space<hbm>>)
    %dma_start3A_202 = arith.constant 1408 : i32
    %dma_start3A_203 = tpu.memref_slice %arg5[%dma_start3A_202] : memref<3328xi32, #tpu.memory_space<vmem>> -> memref<128xi32, #tpu.memory_space<vmem>>
    %dma_start3A_204 = arith.constant 0 : i32
    %dma_start3A_205 = arith.constant 0 : i32
    %dma_start3A_206 = tpu.memref_slice %arg2[%dma_start3A_204, %dma_start3A_205] : memref<50000x128xf32, #tpu.memory_space<hbm>> -> memref<50000x128xf32, #tpu.memory_space<hbm>>
    tpu.enqueue_indirect_dma source(%dma_start3A_206 : memref<50000x128xf32, #tpu.memory_space<hbm>>) target(%arg9 : memref<128x128xf32, #tpu.memory_space<vmem>>) offsets(%dma_start3A_203 : memref<128xi32, #tpu.memory_space<vmem>>) semaphore(%arg13 : memref<!tpu.dma_semaphore, #tpu.memory_space<semaphore_mem>>)
    %dma_wait3A_207 = arith.constant 1280 : i32
    %dma_wait3A_208 = tpu.memref_slice %arg5[%dma_wait3A_207] : memref<3328xi32, #tpu.memory_space<vmem>> -> memref<128xi32, #tpu.memory_space<vmem>>
    %dma_wait3A_209 = arith.constant 0 : i32
    %dma_wait3A_210 = arith.constant 0 : i32
    %dma_wait3A_211 = tpu.memref_slice %arg2[%dma_wait3A_209, %dma_wait3A_210] : memref<50000x128xf32, #tpu.memory_space<hbm>> -> memref<50000x128xf32, #tpu.memory_space<hbm>>
    tpu.wait_indirect_dma semaphore(%arg12 : memref<!tpu.dma_semaphore, #tpu.memory_space<semaphore_mem>>) src(%dma_wait3A_211 : memref<50000x128xf32, #tpu.memory_space<hbm>>) dst(%arg8 : memref<128x128xf32, #tpu.memory_space<vmem>>)
    %add3A_212 = arith.constant 40960 : i32
    %add3A_213 = arith.addi %add3A_212, %mul3A_2 : i32
    %dma_start3A_214 = arith.constant 0 : i32
    %dma_start3A_215 = tpu.memref_slice %arg4[%add3A_213, %dma_start3A_214] : memref<106496x128xf32, #tpu.memory_space<hbm>> -> memref<128x128xf32, #tpu.memory_space<hbm>>
    %dma_start3A_216 = arith.constant 0 : i32
    %dma_start3A_217 = tpu.memref_slice %arg4[%add3A_213, %dma_start3A_216] : memref<106496x128xf32, #tpu.memory_space<hbm>> -> memref<128x128xf32, #tpu.memory_space<hbm>>
    tpu.enqueue_dma source(%arg8 : memref<128x128xf32, #tpu.memory_space<vmem>>) target(%dma_start3A_217 : memref<128x128xf32, #tpu.memory_space<hbm>>) target_semaphore(%arg16 : memref<!tpu.dma_semaphore, #tpu.memory_space<semaphore_mem>>)
    %dma_wait3A_218 = arith.constant 0 : i32
    %dma_wait3A_219 = tpu.memref_slice %arg4[%add3A_173, %dma_wait3A_218] : memref<106496x128xf32, #tpu.memory_space<hbm>> -> memref<128x128xf32, #tpu.memory_space<hbm>>
    %dma_wait3A_220 = arith.constant 0 : i32
    %dma_wait3A_221 = tpu.memref_slice %arg4[%add3A_173, %dma_wait3A_220] : memref<106496x128xf32, #tpu.memory_space<hbm>> -> memref<128x128xf32, #tpu.memory_space<hbm>>
    tpu.wait_dma2 semaphore(%arg14 : memref<!tpu.dma_semaphore, #tpu.memory_space<semaphore_mem>>) src(%arg6 : memref<128x128xf32, #tpu.memory_space<vmem>>) dst(%dma_wait3A_221 : memref<128x128xf32, #tpu.memory_space<hbm>>)
    %dma_start3A_222 = arith.constant 1536 : i32
    %dma_start3A_223 = tpu.memref_slice %arg5[%dma_start3A_222] : memref<3328xi32, #tpu.memory_space<vmem>> -> memref<128xi32, #tpu.memory_space<vmem>>
    %dma_start3A_224 = arith.constant 0 : i32
    %dma_start3A_225 = arith.constant 0 : i32
    %dma_start3A_226 = tpu.memref_slice %arg2[%dma_start3A_224, %dma_start3A_225] : memref<50000x128xf32, #tpu.memory_space<hbm>> -> memref<50000x128xf32, #tpu.memory_space<hbm>>
    tpu.enqueue_indirect_dma source(%dma_start3A_226 : memref<50000x128xf32, #tpu.memory_space<hbm>>) target(%arg6 : memref<128x128xf32, #tpu.memory_space<vmem>>) offsets(%dma_start3A_223 : memref<128xi32, #tpu.memory_space<vmem>>) semaphore(%arg10 : memref<!tpu.dma_semaphore, #tpu.memory_space<semaphore_mem>>)
    %dma_wait3A_227 = arith.constant 1408 : i32
    %dma_wait3A_228 = tpu.memref_slice %arg5[%dma_wait3A_227] : memref<3328xi32, #tpu.memory_space<vmem>> -> memref<128xi32, #tpu.memory_space<vmem>>
    %dma_wait3A_229 = arith.constant 0 : i32
    %dma_wait3A_230 = arith.constant 0 : i32
    %dma_wait3A_231 = tpu.memref_slice %arg2[%dma_wait3A_229, %dma_wait3A_230] : memref<50000x128xf32, #tpu.memory_space<hbm>> -> memref<50000x128xf32, #tpu.memory_space<hbm>>
    tpu.wait_indirect_dma semaphore(%arg13 : memref<!tpu.dma_semaphore, #tpu.memory_space<semaphore_mem>>) src(%dma_wait3A_231 : memref<50000x128xf32, #tpu.memory_space<hbm>>) dst(%arg9 : memref<128x128xf32, #tpu.memory_space<vmem>>)
    %add3A_232 = arith.constant 45056 : i32
    %add3A_233 = arith.addi %add3A_232, %mul3A_2 : i32
    %dma_start3A_234 = arith.constant 0 : i32
    %dma_start3A_235 = tpu.memref_slice %arg4[%add3A_233, %dma_start3A_234] : memref<106496x128xf32, #tpu.memory_space<hbm>> -> memref<128x128xf32, #tpu.memory_space<hbm>>
    %dma_start3A_236 = arith.constant 0 : i32
    %dma_start3A_237 = tpu.memref_slice %arg4[%add3A_233, %dma_start3A_236] : memref<106496x128xf32, #tpu.memory_space<hbm>> -> memref<128x128xf32, #tpu.memory_space<hbm>>
    tpu.enqueue_dma source(%arg9 : memref<128x128xf32, #tpu.memory_space<vmem>>) target(%dma_start3A_237 : memref<128x128xf32, #tpu.memory_space<hbm>>) target_semaphore(%arg17 : memref<!tpu.dma_semaphore, #tpu.memory_space<semaphore_mem>>)
    %dma_wait3A_238 = arith.constant 0 : i32
    %dma_wait3A_239 = tpu.memref_slice %arg4[%add3A_193, %dma_wait3A_238] : memref<106496x128xf32, #tpu.memory_space<hbm>> -> memref<128x128xf32, #tpu.memory_space<hbm>>
    %dma_wait3A_240 = arith.constant 0 : i32
    %dma_wait3A_241 = tpu.memref_slice %arg4[%add3A_193, %dma_wait3A_240] : memref<106496x128xf32, #tpu.memory_space<hbm>> -> memref<128x128xf32, #tpu.memory_space<hbm>>
    tpu.wait_dma2 semaphore(%arg15 : memref<!tpu.dma_semaphore, #tpu.memory_space<semaphore_mem>>) src(%arg7 : memref<128x128xf32, #tpu.memory_space<vmem>>) dst(%dma_wait3A_241 : memref<128x128xf32, #tpu.memory_space<hbm>>)
    %dma_start3A_242 = arith.constant 1664 : i32
    %dma_start3A_243 = tpu.memref_slice %arg5[%dma_start3A_242] : memref<3328xi32, #tpu.memory_space<vmem>> -> memref<128xi32, #tpu.memory_space<vmem>>
    %dma_start3A_244 = arith.constant 0 : i32
    %dma_start3A_245 = arith.constant 0 : i32
    %dma_start3A_246 = tpu.memref_slice %arg2[%dma_start3A_244, %dma_start3A_245] : memref<50000x128xf32, #tpu.memory_space<hbm>> -> memref<50000x128xf32, #tpu.memory_space<hbm>>
    tpu.enqueue_indirect_dma source(%dma_start3A_246 : memref<50000x128xf32, #tpu.memory_space<hbm>>) target(%arg7 : memref<128x128xf32, #tpu.memory_space<vmem>>) offsets(%dma_start3A_243 : memref<128xi32, #tpu.memory_space<vmem>>) semaphore(%arg11 : memref<!tpu.dma_semaphore, #tpu.memory_space<semaphore_mem>>)
    %dma_wait3A_247 = arith.constant 1536 : i32
    %dma_wait3A_248 = tpu.memref_slice %arg5[%dma_wait3A_247] : memref<3328xi32, #tpu.memory_space<vmem>> -> memref<128xi32, #tpu.memory_space<vmem>>
    %dma_wait3A_249 = arith.constant 0 : i32
    %dma_wait3A_250 = arith.constant 0 : i32
    %dma_wait3A_251 = tpu.memref_slice %arg2[%dma_wait3A_249, %dma_wait3A_250] : memref<50000x128xf32, #tpu.memory_space<hbm>> -> memref<50000x128xf32, #tpu.memory_space<hbm>>
    tpu.wait_indirect_dma semaphore(%arg10 : memref<!tpu.dma_semaphore, #tpu.memory_space<semaphore_mem>>) src(%dma_wait3A_251 : memref<50000x128xf32, #tpu.memory_space<hbm>>) dst(%arg6 : memref<128x128xf32, #tpu.memory_space<vmem>>)
    %add3A_252 = arith.constant 49152 : i32
    %add3A_253 = arith.addi %add3A_252, %mul3A_2 : i32
    %dma_start3A_254 = arith.constant 0 : i32
    %dma_start3A_255 = tpu.memref_slice %arg4[%add3A_253, %dma_start3A_254] : memref<106496x128xf32, #tpu.memory_space<hbm>> -> memref<128x128xf32, #tpu.memory_space<hbm>>
    %dma_start3A_256 = arith.constant 0 : i32
    %dma_start3A_257 = tpu.memref_slice %arg4[%add3A_253, %dma_start3A_256] : memref<106496x128xf32, #tpu.memory_space<hbm>> -> memref<128x128xf32, #tpu.memory_space<hbm>>
    tpu.enqueue_dma source(%arg6 : memref<128x128xf32, #tpu.memory_space<vmem>>) target(%dma_start3A_257 : memref<128x128xf32, #tpu.memory_space<hbm>>) target_semaphore(%arg14 : memref<!tpu.dma_semaphore, #tpu.memory_space<semaphore_mem>>)
    %dma_wait3A_258 = arith.constant 0 : i32
    %dma_wait3A_259 = tpu.memref_slice %arg4[%add3A_213, %dma_wait3A_258] : memref<106496x128xf32, #tpu.memory_space<hbm>> -> memref<128x128xf32, #tpu.memory_space<hbm>>
    %dma_wait3A_260 = arith.constant 0 : i32
    %dma_wait3A_261 = tpu.memref_slice %arg4[%add3A_213, %dma_wait3A_260] : memref<106496x128xf32, #tpu.memory_space<hbm>> -> memref<128x128xf32, #tpu.memory_space<hbm>>
    tpu.wait_dma2 semaphore(%arg16 : memref<!tpu.dma_semaphore, #tpu.memory_space<semaphore_mem>>) src(%arg8 : memref<128x128xf32, #tpu.memory_space<vmem>>) dst(%dma_wait3A_261 : memref<128x128xf32, #tpu.memory_space<hbm>>)
    %dma_start3A_262 = arith.constant 1792 : i32
    %dma_start3A_263 = tpu.memref_slice %arg5[%dma_start3A_262] : memref<3328xi32, #tpu.memory_space<vmem>> -> memref<128xi32, #tpu.memory_space<vmem>>
    %dma_start3A_264 = arith.constant 0 : i32
    %dma_start3A_265 = arith.constant 0 : i32
    %dma_start3A_266 = tpu.memref_slice %arg2[%dma_start3A_264, %dma_start3A_265] : memref<50000x128xf32, #tpu.memory_space<hbm>> -> memref<50000x128xf32, #tpu.memory_space<hbm>>
    tpu.enqueue_indirect_dma source(%dma_start3A_266 : memref<50000x128xf32, #tpu.memory_space<hbm>>) target(%arg8 : memref<128x128xf32, #tpu.memory_space<vmem>>) offsets(%dma_start3A_263 : memref<128xi32, #tpu.memory_space<vmem>>) semaphore(%arg12 : memref<!tpu.dma_semaphore, #tpu.memory_space<semaphore_mem>>)
    %dma_wait3A_267 = arith.constant 1664 : i32
    %dma_wait3A_268 = tpu.memref_slice %arg5[%dma_wait3A_267] : memref<3328xi32, #tpu.memory_space<vmem>> -> memref<128xi32, #tpu.memory_space<vmem>>
    %dma_wait3A_269 = arith.constant 0 : i32
    %dma_wait3A_270 = arith.constant 0 : i32
    %dma_wait3A_271 = tpu.memref_slice %arg2[%dma_wait3A_269, %dma_wait3A_270] : memref<50000x128xf32, #tpu.memory_space<hbm>> -> memref<50000x128xf32, #tpu.memory_space<hbm>>
    tpu.wait_indirect_dma semaphore(%arg11 : memref<!tpu.dma_semaphore, #tpu.memory_space<semaphore_mem>>) src(%dma_wait3A_271 : memref<50000x128xf32, #tpu.memory_space<hbm>>) dst(%arg7 : memref<128x128xf32, #tpu.memory_space<vmem>>)
    %add3A_272 = arith.constant 53248 : i32
    %add3A_273 = arith.addi %add3A_272, %mul3A_2 : i32
    %dma_start3A_274 = arith.constant 0 : i32
    %dma_start3A_275 = tpu.memref_slice %arg4[%add3A_273, %dma_start3A_274] : memref<106496x128xf32, #tpu.memory_space<hbm>> -> memref<128x128xf32, #tpu.memory_space<hbm>>
    %dma_start3A_276 = arith.constant 0 : i32
    %dma_start3A_277 = tpu.memref_slice %arg4[%add3A_273, %dma_start3A_276] : memref<106496x128xf32, #tpu.memory_space<hbm>> -> memref<128x128xf32, #tpu.memory_space<hbm>>
    tpu.enqueue_dma source(%arg7 : memref<128x128xf32, #tpu.memory_space<vmem>>) target(%dma_start3A_277 : memref<128x128xf32, #tpu.memory_space<hbm>>) target_semaphore(%arg15 : memref<!tpu.dma_semaphore, #tpu.memory_space<semaphore_mem>>)
    %dma_wait3A_278 = arith.constant 0 : i32
    %dma_wait3A_279 = tpu.memref_slice %arg4[%add3A_233, %dma_wait3A_278] : memref<106496x128xf32, #tpu.memory_space<hbm>> -> memref<128x128xf32, #tpu.memory_space<hbm>>
    %dma_wait3A_280 = arith.constant 0 : i32
    %dma_wait3A_281 = tpu.memref_slice %arg4[%add3A_233, %dma_wait3A_280] : memref<106496x128xf32, #tpu.memory_space<hbm>> -> memref<128x128xf32, #tpu.memory_space<hbm>>
    tpu.wait_dma2 semaphore(%arg17 : memref<!tpu.dma_semaphore, #tpu.memory_space<semaphore_mem>>) src(%arg9 : memref<128x128xf32, #tpu.memory_space<vmem>>) dst(%dma_wait3A_281 : memref<128x128xf32, #tpu.memory_space<hbm>>)
    %dma_start3A_282 = arith.constant 1920 : i32
    %dma_start3A_283 = tpu.memref_slice %arg5[%dma_start3A_282] : memref<3328xi32, #tpu.memory_space<vmem>> -> memref<128xi32, #tpu.memory_space<vmem>>
    %dma_start3A_284 = arith.constant 0 : i32
    %dma_start3A_285 = arith.constant 0 : i32
    %dma_start3A_286 = tpu.memref_slice %arg2[%dma_start3A_284, %dma_start3A_285] : memref<50000x128xf32, #tpu.memory_space<hbm>> -> memref<50000x128xf32, #tpu.memory_space<hbm>>
    tpu.enqueue_indirect_dma source(%dma_start3A_286 : memref<50000x128xf32, #tpu.memory_space<hbm>>) target(%arg9 : memref<128x128xf32, #tpu.memory_space<vmem>>) offsets(%dma_start3A_283 : memref<128xi32, #tpu.memory_space<vmem>>) semaphore(%arg13 : memref<!tpu.dma_semaphore, #tpu.memory_space<semaphore_mem>>)
    %dma_wait3A_287 = arith.constant 1792 : i32
    %dma_wait3A_288 = tpu.memref_slice %arg5[%dma_wait3A_287] : memref<3328xi32, #tpu.memory_space<vmem>> -> memref<128xi32, #tpu.memory_space<vmem>>
    %dma_wait3A_289 = arith.constant 0 : i32
    %dma_wait3A_290 = arith.constant 0 : i32
    %dma_wait3A_291 = tpu.memref_slice %arg2[%dma_wait3A_289, %dma_wait3A_290] : memref<50000x128xf32, #tpu.memory_space<hbm>> -> memref<50000x128xf32, #tpu.memory_space<hbm>>
    tpu.wait_indirect_dma semaphore(%arg12 : memref<!tpu.dma_semaphore, #tpu.memory_space<semaphore_mem>>) src(%dma_wait3A_291 : memref<50000x128xf32, #tpu.memory_space<hbm>>) dst(%arg8 : memref<128x128xf32, #tpu.memory_space<vmem>>)
    %add3A_292 = arith.constant 57344 : i32
    %add3A_293 = arith.addi %add3A_292, %mul3A_2 : i32
    %dma_start3A_294 = arith.constant 0 : i32
    %dma_start3A_295 = tpu.memref_slice %arg4[%add3A_293, %dma_start3A_294] : memref<106496x128xf32, #tpu.memory_space<hbm>> -> memref<128x128xf32, #tpu.memory_space<hbm>>
    %dma_start3A_296 = arith.constant 0 : i32
    %dma_start3A_297 = tpu.memref_slice %arg4[%add3A_293, %dma_start3A_296] : memref<106496x128xf32, #tpu.memory_space<hbm>> -> memref<128x128xf32, #tpu.memory_space<hbm>>
    tpu.enqueue_dma source(%arg8 : memref<128x128xf32, #tpu.memory_space<vmem>>) target(%dma_start3A_297 : memref<128x128xf32, #tpu.memory_space<hbm>>) target_semaphore(%arg16 : memref<!tpu.dma_semaphore, #tpu.memory_space<semaphore_mem>>)
    %dma_wait3A_298 = arith.constant 0 : i32
    %dma_wait3A_299 = tpu.memref_slice %arg4[%add3A_253, %dma_wait3A_298] : memref<106496x128xf32, #tpu.memory_space<hbm>> -> memref<128x128xf32, #tpu.memory_space<hbm>>
    %dma_wait3A_300 = arith.constant 0 : i32
    %dma_wait3A_301 = tpu.memref_slice %arg4[%add3A_253, %dma_wait3A_300] : memref<106496x128xf32, #tpu.memory_space<hbm>> -> memref<128x128xf32, #tpu.memory_space<hbm>>
    tpu.wait_dma2 semaphore(%arg14 : memref<!tpu.dma_semaphore, #tpu.memory_space<semaphore_mem>>) src(%arg6 : memref<128x128xf32, #tpu.memory_space<vmem>>) dst(%dma_wait3A_301 : memref<128x128xf32, #tpu.memory_space<hbm>>)
    %dma_start3A_302 = arith.constant 2048 : i32
    %dma_start3A_303 = tpu.memref_slice %arg5[%dma_start3A_302] : memref<3328xi32, #tpu.memory_space<vmem>> -> memref<128xi32, #tpu.memory_space<vmem>>
    %dma_start3A_304 = arith.constant 0 : i32
    %dma_start3A_305 = arith.constant 0 : i32
    %dma_start3A_306 = tpu.memref_slice %arg2[%dma_start3A_304, %dma_start3A_305] : memref<50000x128xf32, #tpu.memory_space<hbm>> -> memref<50000x128xf32, #tpu.memory_space<hbm>>
    tpu.enqueue_indirect_dma source(%dma_start3A_306 : memref<50000x128xf32, #tpu.memory_space<hbm>>) target(%arg6 : memref<128x128xf32, #tpu.memory_space<vmem>>) offsets(%dma_start3A_303 : memref<128xi32, #tpu.memory_space<vmem>>) semaphore(%arg10 : memref<!tpu.dma_semaphore, #tpu.memory_space<semaphore_mem>>)
    %dma_wait3A_307 = arith.constant 1920 : i32
    %dma_wait3A_308 = tpu.memref_slice %arg5[%dma_wait3A_307] : memref<3328xi32, #tpu.memory_space<vmem>> -> memref<128xi32, #tpu.memory_space<vmem>>
    %dma_wait3A_309 = arith.constant 0 : i32
    %dma_wait3A_310 = arith.constant 0 : i32
    %dma_wait3A_311 = tpu.memref_slice %arg2[%dma_wait3A_309, %dma_wait3A_310] : memref<50000x128xf32, #tpu.memory_space<hbm>> -> memref<50000x128xf32, #tpu.memory_space<hbm>>
    tpu.wait_indirect_dma semaphore(%arg13 : memref<!tpu.dma_semaphore, #tpu.memory_space<semaphore_mem>>) src(%dma_wait3A_311 : memref<50000x128xf32, #tpu.memory_space<hbm>>) dst(%arg9 : memref<128x128xf32, #tpu.memory_space<vmem>>)
    %add3A_312 = arith.constant 61440 : i32
    %add3A_313 = arith.addi %add3A_312, %mul3A_2 : i32
    %dma_start3A_314 = arith.constant 0 : i32
    %dma_start3A_315 = tpu.memref_slice %arg4[%add3A_313, %dma_start3A_314] : memref<106496x128xf32, #tpu.memory_space<hbm>> -> memref<128x128xf32, #tpu.memory_space<hbm>>
    %dma_start3A_316 = arith.constant 0 : i32
    %dma_start3A_317 = tpu.memref_slice %arg4[%add3A_313, %dma_start3A_316] : memref<106496x128xf32, #tpu.memory_space<hbm>> -> memref<128x128xf32, #tpu.memory_space<hbm>>
    tpu.enqueue_dma source(%arg9 : memref<128x128xf32, #tpu.memory_space<vmem>>) target(%dma_start3A_317 : memref<128x128xf32, #tpu.memory_space<hbm>>) target_semaphore(%arg17 : memref<!tpu.dma_semaphore, #tpu.memory_space<semaphore_mem>>)
    %dma_wait3A_318 = arith.constant 0 : i32
    %dma_wait3A_319 = tpu.memref_slice %arg4[%add3A_273, %dma_wait3A_318] : memref<106496x128xf32, #tpu.memory_space<hbm>> -> memref<128x128xf32, #tpu.memory_space<hbm>>
    %dma_wait3A_320 = arith.constant 0 : i32
    %dma_wait3A_321 = tpu.memref_slice %arg4[%add3A_273, %dma_wait3A_320] : memref<106496x128xf32, #tpu.memory_space<hbm>> -> memref<128x128xf32, #tpu.memory_space<hbm>>
    tpu.wait_dma2 semaphore(%arg15 : memref<!tpu.dma_semaphore, #tpu.memory_space<semaphore_mem>>) src(%arg7 : memref<128x128xf32, #tpu.memory_space<vmem>>) dst(%dma_wait3A_321 : memref<128x128xf32, #tpu.memory_space<hbm>>)
    %dma_start3A_322 = arith.constant 2176 : i32
    %dma_start3A_323 = tpu.memref_slice %arg5[%dma_start3A_322] : memref<3328xi32, #tpu.memory_space<vmem>> -> memref<128xi32, #tpu.memory_space<vmem>>
    %dma_start3A_324 = arith.constant 0 : i32
    %dma_start3A_325 = arith.constant 0 : i32
    %dma_start3A_326 = tpu.memref_slice %arg2[%dma_start3A_324, %dma_start3A_325] : memref<50000x128xf32, #tpu.memory_space<hbm>> -> memref<50000x128xf32, #tpu.memory_space<hbm>>
    tpu.enqueue_indirect_dma source(%dma_start3A_326 : memref<50000x128xf32, #tpu.memory_space<hbm>>) target(%arg7 : memref<128x128xf32, #tpu.memory_space<vmem>>) offsets(%dma_start3A_323 : memref<128xi32, #tpu.memory_space<vmem>>) semaphore(%arg11 : memref<!tpu.dma_semaphore, #tpu.memory_space<semaphore_mem>>)
    %dma_wait3A_327 = arith.constant 2048 : i32
    %dma_wait3A_328 = tpu.memref_slice %arg5[%dma_wait3A_327] : memref<3328xi32, #tpu.memory_space<vmem>> -> memref<128xi32, #tpu.memory_space<vmem>>
    %dma_wait3A_329 = arith.constant 0 : i32
    %dma_wait3A_330 = arith.constant 0 : i32
    %dma_wait3A_331 = tpu.memref_slice %arg2[%dma_wait3A_329, %dma_wait3A_330] : memref<50000x128xf32, #tpu.memory_space<hbm>> -> memref<50000x128xf32, #tpu.memory_space<hbm>>
    tpu.wait_indirect_dma semaphore(%arg10 : memref<!tpu.dma_semaphore, #tpu.memory_space<semaphore_mem>>) src(%dma_wait3A_331 : memref<50000x128xf32, #tpu.memory_space<hbm>>) dst(%arg6 : memref<128x128xf32, #tpu.memory_space<vmem>>)
    %add3A_332 = arith.constant 65536 : i32
    %add3A_333 = arith.addi %add3A_332, %mul3A_2 : i32
    %dma_start3A_334 = arith.constant 0 : i32
    %dma_start3A_335 = tpu.memref_slice %arg4[%add3A_333, %dma_start3A_334] : memref<106496x128xf32, #tpu.memory_space<hbm>> -> memref<128x128xf32, #tpu.memory_space<hbm>>
    %dma_start3A_336 = arith.constant 0 : i32
    %dma_start3A_337 = tpu.memref_slice %arg4[%add3A_333, %dma_start3A_336] : memref<106496x128xf32, #tpu.memory_space<hbm>> -> memref<128x128xf32, #tpu.memory_space<hbm>>
    tpu.enqueue_dma source(%arg6 : memref<128x128xf32, #tpu.memory_space<vmem>>) target(%dma_start3A_337 : memref<128x128xf32, #tpu.memory_space<hbm>>) target_semaphore(%arg14 : memref<!tpu.dma_semaphore, #tpu.memory_space<semaphore_mem>>)
    %dma_wait3A_338 = arith.constant 0 : i32
    %dma_wait3A_339 = tpu.memref_slice %arg4[%add3A_293, %dma_wait3A_338] : memref<106496x128xf32, #tpu.memory_space<hbm>> -> memref<128x128xf32, #tpu.memory_space<hbm>>
    %dma_wait3A_340 = arith.constant 0 : i32
    %dma_wait3A_341 = tpu.memref_slice %arg4[%add3A_293, %dma_wait3A_340] : memref<106496x128xf32, #tpu.memory_space<hbm>> -> memref<128x128xf32, #tpu.memory_space<hbm>>
    tpu.wait_dma2 semaphore(%arg16 : memref<!tpu.dma_semaphore, #tpu.memory_space<semaphore_mem>>) src(%arg8 : memref<128x128xf32, #tpu.memory_space<vmem>>) dst(%dma_wait3A_341 : memref<128x128xf32, #tpu.memory_space<hbm>>)
    %dma_start3A_342 = arith.constant 2304 : i32
    %dma_start3A_343 = tpu.memref_slice %arg5[%dma_start3A_342] : memref<3328xi32, #tpu.memory_space<vmem>> -> memref<128xi32, #tpu.memory_space<vmem>>
    %dma_start3A_344 = arith.constant 0 : i32
    %dma_start3A_345 = arith.constant 0 : i32
    %dma_start3A_346 = tpu.memref_slice %arg2[%dma_start3A_344, %dma_start3A_345] : memref<50000x128xf32, #tpu.memory_space<hbm>> -> memref<50000x128xf32, #tpu.memory_space<hbm>>
    tpu.enqueue_indirect_dma source(%dma_start3A_346 : memref<50000x128xf32, #tpu.memory_space<hbm>>) target(%arg8 : memref<128x128xf32, #tpu.memory_space<vmem>>) offsets(%dma_start3A_343 : memref<128xi32, #tpu.memory_space<vmem>>) semaphore(%arg12 : memref<!tpu.dma_semaphore, #tpu.memory_space<semaphore_mem>>)
    %dma_wait3A_347 = arith.constant 2176 : i32
    %dma_wait3A_348 = tpu.memref_slice %arg5[%dma_wait3A_347] : memref<3328xi32, #tpu.memory_space<vmem>> -> memref<128xi32, #tpu.memory_space<vmem>>
    %dma_wait3A_349 = arith.constant 0 : i32
    %dma_wait3A_350 = arith.constant 0 : i32
    %dma_wait3A_351 = tpu.memref_slice %arg2[%dma_wait3A_349, %dma_wait3A_350] : memref<50000x128xf32, #tpu.memory_space<hbm>> -> memref<50000x128xf32, #tpu.memory_space<hbm>>
    tpu.wait_indirect_dma semaphore(%arg11 : memref<!tpu.dma_semaphore, #tpu.memory_space<semaphore_mem>>) src(%dma_wait3A_351 : memref<50000x128xf32, #tpu.memory_space<hbm>>) dst(%arg7 : memref<128x128xf32, #tpu.memory_space<vmem>>)
    %add3A_352 = arith.constant 69632 : i32
    %add3A_353 = arith.addi %add3A_352, %mul3A_2 : i32
    %dma_start3A_354 = arith.constant 0 : i32
    %dma_start3A_355 = tpu.memref_slice %arg4[%add3A_353, %dma_start3A_354] : memref<106496x128xf32, #tpu.memory_space<hbm>> -> memref<128x128xf32, #tpu.memory_space<hbm>>
    %dma_start3A_356 = arith.constant 0 : i32
    %dma_start3A_357 = tpu.memref_slice %arg4[%add3A_353, %dma_start3A_356] : memref<106496x128xf32, #tpu.memory_space<hbm>> -> memref<128x128xf32, #tpu.memory_space<hbm>>
    tpu.enqueue_dma source(%arg7 : memref<128x128xf32, #tpu.memory_space<vmem>>) target(%dma_start3A_357 : memref<128x128xf32, #tpu.memory_space<hbm>>) target_semaphore(%arg15 : memref<!tpu.dma_semaphore, #tpu.memory_space<semaphore_mem>>)
    %dma_wait3A_358 = arith.constant 0 : i32
    %dma_wait3A_359 = tpu.memref_slice %arg4[%add3A_313, %dma_wait3A_358] : memref<106496x128xf32, #tpu.memory_space<hbm>> -> memref<128x128xf32, #tpu.memory_space<hbm>>
    %dma_wait3A_360 = arith.constant 0 : i32
    %dma_wait3A_361 = tpu.memref_slice %arg4[%add3A_313, %dma_wait3A_360] : memref<106496x128xf32, #tpu.memory_space<hbm>> -> memref<128x128xf32, #tpu.memory_space<hbm>>
    tpu.wait_dma2 semaphore(%arg17 : memref<!tpu.dma_semaphore, #tpu.memory_space<semaphore_mem>>) src(%arg9 : memref<128x128xf32, #tpu.memory_space<vmem>>) dst(%dma_wait3A_361 : memref<128x128xf32, #tpu.memory_space<hbm>>)
    %dma_start3A_362 = arith.constant 2432 : i32
    %dma_start3A_363 = tpu.memref_slice %arg5[%dma_start3A_362] : memref<3328xi32, #tpu.memory_space<vmem>> -> memref<128xi32, #tpu.memory_space<vmem>>
    %dma_start3A_364 = arith.constant 0 : i32
    %dma_start3A_365 = arith.constant 0 : i32
    %dma_start3A_366 = tpu.memref_slice %arg2[%dma_start3A_364, %dma_start3A_365] : memref<50000x128xf32, #tpu.memory_space<hbm>> -> memref<50000x128xf32, #tpu.memory_space<hbm>>
    tpu.enqueue_indirect_dma source(%dma_start3A_366 : memref<50000x128xf32, #tpu.memory_space<hbm>>) target(%arg9 : memref<128x128xf32, #tpu.memory_space<vmem>>) offsets(%dma_start3A_363 : memref<128xi32, #tpu.memory_space<vmem>>) semaphore(%arg13 : memref<!tpu.dma_semaphore, #tpu.memory_space<semaphore_mem>>)
    %dma_wait3A_367 = arith.constant 2304 : i32
    %dma_wait3A_368 = tpu.memref_slice %arg5[%dma_wait3A_367] : memref<3328xi32, #tpu.memory_space<vmem>> -> memref<128xi32, #tpu.memory_space<vmem>>
    %dma_wait3A_369 = arith.constant 0 : i32
    %dma_wait3A_370 = arith.constant 0 : i32
    %dma_wait3A_371 = tpu.memref_slice %arg2[%dma_wait3A_369, %dma_wait3A_370] : memref<50000x128xf32, #tpu.memory_space<hbm>> -> memref<50000x128xf32, #tpu.memory_space<hbm>>
    tpu.wait_indirect_dma semaphore(%arg12 : memref<!tpu.dma_semaphore, #tpu.memory_space<semaphore_mem>>) src(%dma_wait3A_371 : memref<50000x128xf32, #tpu.memory_space<hbm>>) dst(%arg8 : memref<128x128xf32, #tpu.memory_space<vmem>>)
    %add3A_372 = arith.constant 73728 : i32
    %add3A_373 = arith.addi %add3A_372, %mul3A_2 : i32
    %dma_start3A_374 = arith.constant 0 : i32
    %dma_start3A_375 = tpu.memref_slice %arg4[%add3A_373, %dma_start3A_374] : memref<106496x128xf32, #tpu.memory_space<hbm>> -> memref<128x128xf32, #tpu.memory_space<hbm>>
    %dma_start3A_376 = arith.constant 0 : i32
    %dma_start3A_377 = tpu.memref_slice %arg4[%add3A_373, %dma_start3A_376] : memref<106496x128xf32, #tpu.memory_space<hbm>> -> memref<128x128xf32, #tpu.memory_space<hbm>>
    tpu.enqueue_dma source(%arg8 : memref<128x128xf32, #tpu.memory_space<vmem>>) target(%dma_start3A_377 : memref<128x128xf32, #tpu.memory_space<hbm>>) target_semaphore(%arg16 : memref<!tpu.dma_semaphore, #tpu.memory_space<semaphore_mem>>)
    %dma_wait3A_378 = arith.constant 0 : i32
    %dma_wait3A_379 = tpu.memref_slice %arg4[%add3A_333, %dma_wait3A_378] : memref<106496x128xf32, #tpu.memory_space<hbm>> -> memref<128x128xf32, #tpu.memory_space<hbm>>
    %dma_wait3A_380 = arith.constant 0 : i32
    %dma_wait3A_381 = tpu.memref_slice %arg4[%add3A_333, %dma_wait3A_380] : memref<106496x128xf32, #tpu.memory_space<hbm>> -> memref<128x128xf32, #tpu.memory_space<hbm>>
    tpu.wait_dma2 semaphore(%arg14 : memref<!tpu.dma_semaphore, #tpu.memory_space<semaphore_mem>>) src(%arg6 : memref<128x128xf32, #tpu.memory_space<vmem>>) dst(%dma_wait3A_381 : memref<128x128xf32, #tpu.memory_space<hbm>>)
    %dma_start3A_382 = arith.constant 2560 : i32
    %dma_start3A_383 = tpu.memref_slice %arg5[%dma_start3A_382] : memref<3328xi32, #tpu.memory_space<vmem>> -> memref<128xi32, #tpu.memory_space<vmem>>
    %dma_start3A_384 = arith.constant 0 : i32
    %dma_start3A_385 = arith.constant 0 : i32
    %dma_start3A_386 = tpu.memref_slice %arg2[%dma_start3A_384, %dma_start3A_385] : memref<50000x128xf32, #tpu.memory_space<hbm>> -> memref<50000x128xf32, #tpu.memory_space<hbm>>
    tpu.enqueue_indirect_dma source(%dma_start3A_386 : memref<50000x128xf32, #tpu.memory_space<hbm>>) target(%arg6 : memref<128x128xf32, #tpu.memory_space<vmem>>) offsets(%dma_start3A_383 : memref<128xi32, #tpu.memory_space<vmem>>) semaphore(%arg10 : memref<!tpu.dma_semaphore, #tpu.memory_space<semaphore_mem>>)
    %dma_wait3A_387 = arith.constant 2432 : i32
    %dma_wait3A_388 = tpu.memref_slice %arg5[%dma_wait3A_387] : memref<3328xi32, #tpu.memory_space<vmem>> -> memref<128xi32, #tpu.memory_space<vmem>>
    %dma_wait3A_389 = arith.constant 0 : i32
    %dma_wait3A_390 = arith.constant 0 : i32
    %dma_wait3A_391 = tpu.memref_slice %arg2[%dma_wait3A_389, %dma_wait3A_390] : memref<50000x128xf32, #tpu.memory_space<hbm>> -> memref<50000x128xf32, #tpu.memory_space<hbm>>
    tpu.wait_indirect_dma semaphore(%arg13 : memref<!tpu.dma_semaphore, #tpu.memory_space<semaphore_mem>>) src(%dma_wait3A_391 : memref<50000x128xf32, #tpu.memory_space<hbm>>) dst(%arg9 : memref<128x128xf32, #tpu.memory_space<vmem>>)
    %add3A_392 = arith.constant 77824 : i32
    %add3A_393 = arith.addi %add3A_392, %mul3A_2 : i32
    %dma_start3A_394 = arith.constant 0 : i32
    %dma_start3A_395 = tpu.memref_slice %arg4[%add3A_393, %dma_start3A_394] : memref<106496x128xf32, #tpu.memory_space<hbm>> -> memref<128x128xf32, #tpu.memory_space<hbm>>
    %dma_start3A_396 = arith.constant 0 : i32
    %dma_start3A_397 = tpu.memref_slice %arg4[%add3A_393, %dma_start3A_396] : memref<106496x128xf32, #tpu.memory_space<hbm>> -> memref<128x128xf32, #tpu.memory_space<hbm>>
    tpu.enqueue_dma source(%arg9 : memref<128x128xf32, #tpu.memory_space<vmem>>) target(%dma_start3A_397 : memref<128x128xf32, #tpu.memory_space<hbm>>) target_semaphore(%arg17 : memref<!tpu.dma_semaphore, #tpu.memory_space<semaphore_mem>>)
    %dma_wait3A_398 = arith.constant 0 : i32
    %dma_wait3A_399 = tpu.memref_slice %arg4[%add3A_353, %dma_wait3A_398] : memref<106496x128xf32, #tpu.memory_space<hbm>> -> memref<128x128xf32, #tpu.memory_space<hbm>>
    %dma_wait3A_400 = arith.constant 0 : i32
    %dma_wait3A_401 = tpu.memref_slice %arg4[%add3A_353, %dma_wait3A_400] : memref<106496x128xf32, #tpu.memory_space<hbm>> -> memref<128x128xf32, #tpu.memory_space<hbm>>
    tpu.wait_dma2 semaphore(%arg15 : memref<!tpu.dma_semaphore, #tpu.memory_space<semaphore_mem>>) src(%arg7 : memref<128x128xf32, #tpu.memory_space<vmem>>) dst(%dma_wait3A_401 : memref<128x128xf32, #tpu.memory_space<hbm>>)
    %dma_start3A_402 = arith.constant 2688 : i32
    %dma_start3A_403 = tpu.memref_slice %arg5[%dma_start3A_402] : memref<3328xi32, #tpu.memory_space<vmem>> -> memref<128xi32, #tpu.memory_space<vmem>>
    %dma_start3A_404 = arith.constant 0 : i32
    %dma_start3A_405 = arith.constant 0 : i32
    %dma_start3A_406 = tpu.memref_slice %arg2[%dma_start3A_404, %dma_start3A_405] : memref<50000x128xf32, #tpu.memory_space<hbm>> -> memref<50000x128xf32, #tpu.memory_space<hbm>>
    tpu.enqueue_indirect_dma source(%dma_start3A_406 : memref<50000x128xf32, #tpu.memory_space<hbm>>) target(%arg7 : memref<128x128xf32, #tpu.memory_space<vmem>>) offsets(%dma_start3A_403 : memref<128xi32, #tpu.memory_space<vmem>>) semaphore(%arg11 : memref<!tpu.dma_semaphore, #tpu.memory_space<semaphore_mem>>)
    %dma_wait3A_407 = arith.constant 2560 : i32
    %dma_wait3A_408 = tpu.memref_slice %arg5[%dma_wait3A_407] : memref<3328xi32, #tpu.memory_space<vmem>> -> memref<128xi32, #tpu.memory_space<vmem>>
    %dma_wait3A_409 = arith.constant 0 : i32
    %dma_wait3A_410 = arith.constant 0 : i32
    %dma_wait3A_411 = tpu.memref_slice %arg2[%dma_wait3A_409, %dma_wait3A_410] : memref<50000x128xf32, #tpu.memory_space<hbm>> -> memref<50000x128xf32, #tpu.memory_space<hbm>>
    tpu.wait_indirect_dma semaphore(%arg10 : memref<!tpu.dma_semaphore, #tpu.memory_space<semaphore_mem>>) src(%dma_wait3A_411 : memref<50000x128xf32, #tpu.memory_space<hbm>>) dst(%arg6 : memref<128x128xf32, #tpu.memory_space<vmem>>)
    %add3A_412 = arith.constant 81920 : i32
    %add3A_413 = arith.addi %add3A_412, %mul3A_2 : i32
    %dma_start3A_414 = arith.constant 0 : i32
    %dma_start3A_415 = tpu.memref_slice %arg4[%add3A_413, %dma_start3A_414] : memref<106496x128xf32, #tpu.memory_space<hbm>> -> memref<128x128xf32, #tpu.memory_space<hbm>>
    %dma_start3A_416 = arith.constant 0 : i32
    %dma_start3A_417 = tpu.memref_slice %arg4[%add3A_413, %dma_start3A_416] : memref<106496x128xf32, #tpu.memory_space<hbm>> -> memref<128x128xf32, #tpu.memory_space<hbm>>
    tpu.enqueue_dma source(%arg6 : memref<128x128xf32, #tpu.memory_space<vmem>>) target(%dma_start3A_417 : memref<128x128xf32, #tpu.memory_space<hbm>>) target_semaphore(%arg14 : memref<!tpu.dma_semaphore, #tpu.memory_space<semaphore_mem>>)
    %dma_wait3A_418 = arith.constant 0 : i32
    %dma_wait3A_419 = tpu.memref_slice %arg4[%add3A_373, %dma_wait3A_418] : memref<106496x128xf32, #tpu.memory_space<hbm>> -> memref<128x128xf32, #tpu.memory_space<hbm>>
    %dma_wait3A_420 = arith.constant 0 : i32
    %dma_wait3A_421 = tpu.memref_slice %arg4[%add3A_373, %dma_wait3A_420] : memref<106496x128xf32, #tpu.memory_space<hbm>> -> memref<128x128xf32, #tpu.memory_space<hbm>>
    tpu.wait_dma2 semaphore(%arg16 : memref<!tpu.dma_semaphore, #tpu.memory_space<semaphore_mem>>) src(%arg8 : memref<128x128xf32, #tpu.memory_space<vmem>>) dst(%dma_wait3A_421 : memref<128x128xf32, #tpu.memory_space<hbm>>)
    %dma_start3A_422 = arith.constant 2816 : i32
    %dma_start3A_423 = tpu.memref_slice %arg5[%dma_start3A_422] : memref<3328xi32, #tpu.memory_space<vmem>> -> memref<128xi32, #tpu.memory_space<vmem>>
    %dma_start3A_424 = arith.constant 0 : i32
    %dma_start3A_425 = arith.constant 0 : i32
    %dma_start3A_426 = tpu.memref_slice %arg2[%dma_start3A_424, %dma_start3A_425] : memref<50000x128xf32, #tpu.memory_space<hbm>> -> memref<50000x128xf32, #tpu.memory_space<hbm>>
    tpu.enqueue_indirect_dma source(%dma_start3A_426 : memref<50000x128xf32, #tpu.memory_space<hbm>>) target(%arg8 : memref<128x128xf32, #tpu.memory_space<vmem>>) offsets(%dma_start3A_423 : memref<128xi32, #tpu.memory_space<vmem>>) semaphore(%arg12 : memref<!tpu.dma_semaphore, #tpu.memory_space<semaphore_mem>>)
    %dma_wait3A_427 = arith.constant 2688 : i32
    %dma_wait3A_428 = tpu.memref_slice %arg5[%dma_wait3A_427] : memref<3328xi32, #tpu.memory_space<vmem>> -> memref<128xi32, #tpu.memory_space<vmem>>
    %dma_wait3A_429 = arith.constant 0 : i32
    %dma_wait3A_430 = arith.constant 0 : i32
    %dma_wait3A_431 = tpu.memref_slice %arg2[%dma_wait3A_429, %dma_wait3A_430] : memref<50000x128xf32, #tpu.memory_space<hbm>> -> memref<50000x128xf32, #tpu.memory_space<hbm>>
    tpu.wait_indirect_dma semaphore(%arg11 : memref<!tpu.dma_semaphore, #tpu.memory_space<semaphore_mem>>) src(%dma_wait3A_431 : memref<50000x128xf32, #tpu.memory_space<hbm>>) dst(%arg7 : memref<128x128xf32, #tpu.memory_space<vmem>>)
    %add3A_432 = arith.constant 86016 : i32
    %add3A_433 = arith.addi %add3A_432, %mul3A_2 : i32
    %dma_start3A_434 = arith.constant 0 : i32
    %dma_start3A_435 = tpu.memref_slice %arg4[%add3A_433, %dma_start3A_434] : memref<106496x128xf32, #tpu.memory_space<hbm>> -> memref<128x128xf32, #tpu.memory_space<hbm>>
    %dma_start3A_436 = arith.constant 0 : i32
    %dma_start3A_437 = tpu.memref_slice %arg4[%add3A_433, %dma_start3A_436] : memref<106496x128xf32, #tpu.memory_space<hbm>> -> memref<128x128xf32, #tpu.memory_space<hbm>>
    tpu.enqueue_dma source(%arg7 : memref<128x128xf32, #tpu.memory_space<vmem>>) target(%dma_start3A_437 : memref<128x128xf32, #tpu.memory_space<hbm>>) target_semaphore(%arg15 : memref<!tpu.dma_semaphore, #tpu.memory_space<semaphore_mem>>)
    %dma_wait3A_438 = arith.constant 0 : i32
    %dma_wait3A_439 = tpu.memref_slice %arg4[%add3A_393, %dma_wait3A_438] : memref<106496x128xf32, #tpu.memory_space<hbm>> -> memref<128x128xf32, #tpu.memory_space<hbm>>
    %dma_wait3A_440 = arith.constant 0 : i32
    %dma_wait3A_441 = tpu.memref_slice %arg4[%add3A_393, %dma_wait3A_440] : memref<106496x128xf32, #tpu.memory_space<hbm>> -> memref<128x128xf32, #tpu.memory_space<hbm>>
    tpu.wait_dma2 semaphore(%arg17 : memref<!tpu.dma_semaphore, #tpu.memory_space<semaphore_mem>>) src(%arg9 : memref<128x128xf32, #tpu.memory_space<vmem>>) dst(%dma_wait3A_441 : memref<128x128xf32, #tpu.memory_space<hbm>>)
    %dma_start3A_442 = arith.constant 2944 : i32
    %dma_start3A_443 = tpu.memref_slice %arg5[%dma_start3A_442] : memref<3328xi32, #tpu.memory_space<vmem>> -> memref<128xi32, #tpu.memory_space<vmem>>
    %dma_start3A_444 = arith.constant 0 : i32
    %dma_start3A_445 = arith.constant 0 : i32
    %dma_start3A_446 = tpu.memref_slice %arg2[%dma_start3A_444, %dma_start3A_445] : memref<50000x128xf32, #tpu.memory_space<hbm>> -> memref<50000x128xf32, #tpu.memory_space<hbm>>
    tpu.enqueue_indirect_dma source(%dma_start3A_446 : memref<50000x128xf32, #tpu.memory_space<hbm>>) target(%arg9 : memref<128x128xf32, #tpu.memory_space<vmem>>) offsets(%dma_start3A_443 : memref<128xi32, #tpu.memory_space<vmem>>) semaphore(%arg13 : memref<!tpu.dma_semaphore, #tpu.memory_space<semaphore_mem>>)
    %dma_wait3A_447 = arith.constant 2816 : i32
    %dma_wait3A_448 = tpu.memref_slice %arg5[%dma_wait3A_447] : memref<3328xi32, #tpu.memory_space<vmem>> -> memref<128xi32, #tpu.memory_space<vmem>>
    %dma_wait3A_449 = arith.constant 0 : i32
    %dma_wait3A_450 = arith.constant 0 : i32
    %dma_wait3A_451 = tpu.memref_slice %arg2[%dma_wait3A_449, %dma_wait3A_450] : memref<50000x128xf32, #tpu.memory_space<hbm>> -> memref<50000x128xf32, #tpu.memory_space<hbm>>
    tpu.wait_indirect_dma semaphore(%arg12 : memref<!tpu.dma_semaphore, #tpu.memory_space<semaphore_mem>>) src(%dma_wait3A_451 : memref<50000x128xf32, #tpu.memory_space<hbm>>) dst(%arg8 : memref<128x128xf32, #tpu.memory_space<vmem>>)
    %add3A_452 = arith.constant 90112 : i32
    %add3A_453 = arith.addi %add3A_452, %mul3A_2 : i32
    %dma_start3A_454 = arith.constant 0 : i32
    %dma_start3A_455 = tpu.memref_slice %arg4[%add3A_453, %dma_start3A_454] : memref<106496x128xf32, #tpu.memory_space<hbm>> -> memref<128x128xf32, #tpu.memory_space<hbm>>
    %dma_start3A_456 = arith.constant 0 : i32
    %dma_start3A_457 = tpu.memref_slice %arg4[%add3A_453, %dma_start3A_456] : memref<106496x128xf32, #tpu.memory_space<hbm>> -> memref<128x128xf32, #tpu.memory_space<hbm>>
    tpu.enqueue_dma source(%arg8 : memref<128x128xf32, #tpu.memory_space<vmem>>) target(%dma_start3A_457 : memref<128x128xf32, #tpu.memory_space<hbm>>) target_semaphore(%arg16 : memref<!tpu.dma_semaphore, #tpu.memory_space<semaphore_mem>>)
    %dma_wait3A_458 = arith.constant 0 : i32
    %dma_wait3A_459 = tpu.memref_slice %arg4[%add3A_413, %dma_wait3A_458] : memref<106496x128xf32, #tpu.memory_space<hbm>> -> memref<128x128xf32, #tpu.memory_space<hbm>>
    %dma_wait3A_460 = arith.constant 0 : i32
    %dma_wait3A_461 = tpu.memref_slice %arg4[%add3A_413, %dma_wait3A_460] : memref<106496x128xf32, #tpu.memory_space<hbm>> -> memref<128x128xf32, #tpu.memory_space<hbm>>
    tpu.wait_dma2 semaphore(%arg14 : memref<!tpu.dma_semaphore, #tpu.memory_space<semaphore_mem>>) src(%arg6 : memref<128x128xf32, #tpu.memory_space<vmem>>) dst(%dma_wait3A_461 : memref<128x128xf32, #tpu.memory_space<hbm>>)
    %dma_start3A_462 = arith.constant 3072 : i32
    %dma_start3A_463 = tpu.memref_slice %arg5[%dma_start3A_462] : memref<3328xi32, #tpu.memory_space<vmem>> -> memref<128xi32, #tpu.memory_space<vmem>>
    %dma_start3A_464 = arith.constant 0 : i32
    %dma_start3A_465 = arith.constant 0 : i32
    %dma_start3A_466 = tpu.memref_slice %arg2[%dma_start3A_464, %dma_start3A_465] : memref<50000x128xf32, #tpu.memory_space<hbm>> -> memref<50000x128xf32, #tpu.memory_space<hbm>>
    tpu.enqueue_indirect_dma source(%dma_start3A_466 : memref<50000x128xf32, #tpu.memory_space<hbm>>) target(%arg6 : memref<128x128xf32, #tpu.memory_space<vmem>>) offsets(%dma_start3A_463 : memref<128xi32, #tpu.memory_space<vmem>>) semaphore(%arg10 : memref<!tpu.dma_semaphore, #tpu.memory_space<semaphore_mem>>)
    %dma_wait3A_467 = arith.constant 2944 : i32
    %dma_wait3A_468 = tpu.memref_slice %arg5[%dma_wait3A_467] : memref<3328xi32, #tpu.memory_space<vmem>> -> memref<128xi32, #tpu.memory_space<vmem>>
    %dma_wait3A_469 = arith.constant 0 : i32
    %dma_wait3A_470 = arith.constant 0 : i32
    %dma_wait3A_471 = tpu.memref_slice %arg2[%dma_wait3A_469, %dma_wait3A_470] : memref<50000x128xf32, #tpu.memory_space<hbm>> -> memref<50000x128xf32, #tpu.memory_space<hbm>>
    tpu.wait_indirect_dma semaphore(%arg13 : memref<!tpu.dma_semaphore, #tpu.memory_space<semaphore_mem>>) src(%dma_wait3A_471 : memref<50000x128xf32, #tpu.memory_space<hbm>>) dst(%arg9 : memref<128x128xf32, #tpu.memory_space<vmem>>)
    %add3A_472 = arith.constant 94208 : i32
    %add3A_473 = arith.addi %add3A_472, %mul3A_2 : i32
    %dma_start3A_474 = arith.constant 0 : i32
    %dma_start3A_475 = tpu.memref_slice %arg4[%add3A_473, %dma_start3A_474] : memref<106496x128xf32, #tpu.memory_space<hbm>> -> memref<128x128xf32, #tpu.memory_space<hbm>>
    %dma_start3A_476 = arith.constant 0 : i32
    %dma_start3A_477 = tpu.memref_slice %arg4[%add3A_473, %dma_start3A_476] : memref<106496x128xf32, #tpu.memory_space<hbm>> -> memref<128x128xf32, #tpu.memory_space<hbm>>
    tpu.enqueue_dma source(%arg9 : memref<128x128xf32, #tpu.memory_space<vmem>>) target(%dma_start3A_477 : memref<128x128xf32, #tpu.memory_space<hbm>>) target_semaphore(%arg17 : memref<!tpu.dma_semaphore, #tpu.memory_space<semaphore_mem>>)
    %dma_wait3A_478 = arith.constant 0 : i32
    %dma_wait3A_479 = tpu.memref_slice %arg4[%add3A_433, %dma_wait3A_478] : memref<106496x128xf32, #tpu.memory_space<hbm>> -> memref<128x128xf32, #tpu.memory_space<hbm>>
    %dma_wait3A_480 = arith.constant 0 : i32
    %dma_wait3A_481 = tpu.memref_slice %arg4[%add3A_433, %dma_wait3A_480] : memref<106496x128xf32, #tpu.memory_space<hbm>> -> memref<128x128xf32, #tpu.memory_space<hbm>>
    tpu.wait_dma2 semaphore(%arg15 : memref<!tpu.dma_semaphore, #tpu.memory_space<semaphore_mem>>) src(%arg7 : memref<128x128xf32, #tpu.memory_space<vmem>>) dst(%dma_wait3A_481 : memref<128x128xf32, #tpu.memory_space<hbm>>)
    %dma_start3A_482 = arith.constant 3200 : i32
    %dma_start3A_483 = tpu.memref_slice %arg5[%dma_start3A_482] : memref<3328xi32, #tpu.memory_space<vmem>> -> memref<128xi32, #tpu.memory_space<vmem>>
    %dma_start3A_484 = arith.constant 0 : i32
    %dma_start3A_485 = arith.constant 0 : i32
    %dma_start3A_486 = tpu.memref_slice %arg2[%dma_start3A_484, %dma_start3A_485] : memref<50000x128xf32, #tpu.memory_space<hbm>> -> memref<50000x128xf32, #tpu.memory_space<hbm>>
    tpu.enqueue_indirect_dma source(%dma_start3A_486 : memref<50000x128xf32, #tpu.memory_space<hbm>>) target(%arg7 : memref<128x128xf32, #tpu.memory_space<vmem>>) offsets(%dma_start3A_483 : memref<128xi32, #tpu.memory_space<vmem>>) semaphore(%arg11 : memref<!tpu.dma_semaphore, #tpu.memory_space<semaphore_mem>>)
    %dma_wait3A_487 = arith.constant 3072 : i32
    %dma_wait3A_488 = tpu.memref_slice %arg5[%dma_wait3A_487] : memref<3328xi32, #tpu.memory_space<vmem>> -> memref<128xi32, #tpu.memory_space<vmem>>
    %dma_wait3A_489 = arith.constant 0 : i32
    %dma_wait3A_490 = arith.constant 0 : i32
    %dma_wait3A_491 = tpu.memref_slice %arg2[%dma_wait3A_489, %dma_wait3A_490] : memref<50000x128xf32, #tpu.memory_space<hbm>> -> memref<50000x128xf32, #tpu.memory_space<hbm>>
    tpu.wait_indirect_dma semaphore(%arg10 : memref<!tpu.dma_semaphore, #tpu.memory_space<semaphore_mem>>) src(%dma_wait3A_491 : memref<50000x128xf32, #tpu.memory_space<hbm>>) dst(%arg6 : memref<128x128xf32, #tpu.memory_space<vmem>>)
    %add3A_492 = arith.constant 98304 : i32
    %add3A_493 = arith.addi %add3A_492, %mul3A_2 : i32
    %dma_start3A_494 = arith.constant 0 : i32
    %dma_start3A_495 = tpu.memref_slice %arg4[%add3A_493, %dma_start3A_494] : memref<106496x128xf32, #tpu.memory_space<hbm>> -> memref<128x128xf32, #tpu.memory_space<hbm>>
    %dma_start3A_496 = arith.constant 0 : i32
    %dma_start3A_497 = tpu.memref_slice %arg4[%add3A_493, %dma_start3A_496] : memref<106496x128xf32, #tpu.memory_space<hbm>> -> memref<128x128xf32, #tpu.memory_space<hbm>>
    tpu.enqueue_dma source(%arg6 : memref<128x128xf32, #tpu.memory_space<vmem>>) target(%dma_start3A_497 : memref<128x128xf32, #tpu.memory_space<hbm>>) target_semaphore(%arg14 : memref<!tpu.dma_semaphore, #tpu.memory_space<semaphore_mem>>)
    %dma_wait3A_498 = arith.constant 3200 : i32
    %dma_wait3A_499 = tpu.memref_slice %arg5[%dma_wait3A_498] : memref<3328xi32, #tpu.memory_space<vmem>> -> memref<128xi32, #tpu.memory_space<vmem>>
    %dma_wait3A_500 = arith.constant 0 : i32
    %dma_wait3A_501 = arith.constant 0 : i32
    %dma_wait3A_502 = tpu.memref_slice %arg2[%dma_wait3A_500, %dma_wait3A_501] : memref<50000x128xf32, #tpu.memory_space<hbm>> -> memref<50000x128xf32, #tpu.memory_space<hbm>>
    tpu.wait_indirect_dma semaphore(%arg11 : memref<!tpu.dma_semaphore, #tpu.memory_space<semaphore_mem>>) src(%dma_wait3A_502 : memref<50000x128xf32, #tpu.memory_space<hbm>>) dst(%arg7 : memref<128x128xf32, #tpu.memory_space<vmem>>)
    %add3A_503 = arith.constant 102400 : i32
    %add3A_504 = arith.addi %add3A_503, %mul3A_2 : i32
    %dma_start3A_505 = arith.constant 0 : i32
    %dma_start3A_506 = tpu.memref_slice %arg4[%add3A_504, %dma_start3A_505] : memref<106496x128xf32, #tpu.memory_space<hbm>> -> memref<128x128xf32, #tpu.memory_space<hbm>>
    %dma_start3A_507 = arith.constant 0 : i32
    %dma_start3A_508 = tpu.memref_slice %arg4[%add3A_504, %dma_start3A_507] : memref<106496x128xf32, #tpu.memory_space<hbm>> -> memref<128x128xf32, #tpu.memory_space<hbm>>
    tpu.enqueue_dma source(%arg7 : memref<128x128xf32, #tpu.memory_space<vmem>>) target(%dma_start3A_508 : memref<128x128xf32, #tpu.memory_space<hbm>>) target_semaphore(%arg15 : memref<!tpu.dma_semaphore, #tpu.memory_space<semaphore_mem>>)
    %dma_wait3A_509 = arith.constant 0 : i32
    %dma_wait3A_510 = tpu.memref_slice %arg4[%add3A_453, %dma_wait3A_509] : memref<106496x128xf32, #tpu.memory_space<hbm>> -> memref<128x128xf32, #tpu.memory_space<hbm>>
    %dma_wait3A_511 = arith.constant 0 : i32
    %dma_wait3A_512 = tpu.memref_slice %arg4[%add3A_453, %dma_wait3A_511] : memref<106496x128xf32, #tpu.memory_space<hbm>> -> memref<128x128xf32, #tpu.memory_space<hbm>>
    tpu.wait_dma2 semaphore(%arg16 : memref<!tpu.dma_semaphore, #tpu.memory_space<semaphore_mem>>) src(%arg8 : memref<128x128xf32, #tpu.memory_space<vmem>>) dst(%dma_wait3A_512 : memref<128x128xf32, #tpu.memory_space<hbm>>)
    %dma_wait3A_513 = arith.constant 0 : i32
    %dma_wait3A_514 = tpu.memref_slice %arg4[%add3A_473, %dma_wait3A_513] : memref<106496x128xf32, #tpu.memory_space<hbm>> -> memref<128x128xf32, #tpu.memory_space<hbm>>
    %dma_wait3A_515 = arith.constant 0 : i32
    %dma_wait3A_516 = tpu.memref_slice %arg4[%add3A_473, %dma_wait3A_515] : memref<106496x128xf32, #tpu.memory_space<hbm>> -> memref<128x128xf32, #tpu.memory_space<hbm>>
    tpu.wait_dma2 semaphore(%arg17 : memref<!tpu.dma_semaphore, #tpu.memory_space<semaphore_mem>>) src(%arg9 : memref<128x128xf32, #tpu.memory_space<vmem>>) dst(%dma_wait3A_516 : memref<128x128xf32, #tpu.memory_space<hbm>>)
    %dma_wait3A_517 = arith.constant 0 : i32
    %dma_wait3A_518 = tpu.memref_slice %arg4[%add3A_493, %dma_wait3A_517] : memref<106496x128xf32, #tpu.memory_space<hbm>> -> memref<128x128xf32, #tpu.memory_space<hbm>>
    %dma_wait3A_519 = arith.constant 0 : i32
    %dma_wait3A_520 = tpu.memref_slice %arg4[%add3A_493, %dma_wait3A_519] : memref<106496x128xf32, #tpu.memory_space<hbm>> -> memref<128x128xf32, #tpu.memory_space<hbm>>
    tpu.wait_dma2 semaphore(%arg14 : memref<!tpu.dma_semaphore, #tpu.memory_space<semaphore_mem>>) src(%arg6 : memref<128x128xf32, #tpu.memory_space<vmem>>) dst(%dma_wait3A_520 : memref<128x128xf32, #tpu.memory_space<hbm>>)
    %dma_wait3A_521 = arith.constant 0 : i32
    %dma_wait3A_522 = tpu.memref_slice %arg4[%add3A_504, %dma_wait3A_521] : memref<106496x128xf32, #tpu.memory_space<hbm>> -> memref<128x128xf32, #tpu.memory_space<hbm>>
    %dma_wait3A_523 = arith.constant 0 : i32
    %dma_wait3A_524 = tpu.memref_slice %arg4[%add3A_504, %dma_wait3A_523] : memref<106496x128xf32, #tpu.memory_space<hbm>> -> memref<128x128xf32, #tpu.memory_space<hbm>>
    tpu.wait_dma2 semaphore(%arg15 : memref<!tpu.dma_semaphore, #tpu.memory_space<semaphore_mem>>) src(%arg7 : memref<128x128xf32, #tpu.memory_space<vmem>>) dst(%dma_wait3A_524 : memref<128x128xf32, #tpu.memory_space<hbm>>)
    return
  }
}

module attributes {stable_mosaic.version = 14 : i64} {
  func.func @body(%arg0: i32, %arg1: i32, %arg2: memref<1x4096x128xf32, #tpu.memory_space<vmem>>, %arg3: memref<4096x26xf32, #tpu.memory_space<vmem>>, %arg4: memref<1x64x128xbf16, #tpu.memory_space<vmem>>, %arg5: memref<1x128xf32, #tpu.memory_space<vmem>>, %arg6: memref<4096x128xf32, #tpu.memory_space<vmem>>) attributes {dimension_semantics = [#tpu.dimension_semantics<arbitrary>, #tpu.dimension_semantics<arbitrary>], iteration_bounds = array<i64: 1, 26>, scalar_prefetch = 0 : i64, scratch_operands = 0 : i64, tpu.core_type = #tpu.core_type<tc>, window_params = [{transform_indices = @transform_0, window_bounds = array<i64: 1, 4096, 128>}, {transform_indices = @transform_1, window_bounds = array<i64: 4096, 26>}, {transform_indices = @transform_2, window_bounds = array<i64: 1, 64, 128>}, {pipeline_mode = #tpu.pipeline_mode<synchronous>, transform_indices = @transform_3, window_bounds = array<i64: 1, 128>}, {transform_indices = @transform_4, window_bounds = array<i64: 4096, 128>}]} {
    %get3A = arith.constant 0 : index
    %get3A_0 = arith.constant 0 : index
    %get3A_1 = arith.constant 0 : index
    %get3A_2 = vector.load %arg2[%get3A, %get3A_0, %get3A_1] : memref<1x4096x128xf32, #tpu.memory_space<vmem>>, vector<1x4096x128xf32>
    %get3A_3 = vector.shape_cast %get3A_2 : vector<1x4096x128xf32> to vector<4096x128xf32>
    %iota3A = tpu.iota {dimensions = array<i32: 1>} : vector<1x26xi32>
    %eq3A = vector.broadcast %arg1 : i32 to vector<1x26xi32>
    %eq3A_4 = arith.cmpi eq, %iota3A, %eq3A : vector<1x26xi32>
    %get3A_5 = arith.constant 0 : index
    %get3A_6 = arith.constant 0 : index
    %get3A_7 = vector.load %arg3[%get3A_5, %get3A_6] : memref<4096x26xf32, #tpu.memory_space<vmem>>, vector<4096x26xf32>
    %convert_element_type3A = arith.extui %eq3A_4 : vector<1x26xi1> to vector<1x26xi32>
    %convert_element_type3A_8 = arith.sitofp %convert_element_type3A : vector<1x26xi32> to vector<1x26xf32>
    %mul3A = vector.broadcast %convert_element_type3A_8 : vector<1x26xf32> to vector<4096x26xf32>
    %mul3A_9 = arith.mulf %get3A_7, %mul3A : vector<4096x26xf32>
    %reduce_sum3A = arith.constant dense<0.000000e+00> : vector<4096xf32>
    %reduce_sum3A_10 = vector.multi_reduction <add>, %mul3A_9, %reduce_sum3A [1] : vector<4096x26xf32> to vector<4096xf32>
    %broadcast_in_dim3A = vector.shape_cast %reduce_sum3A_10 : vector<4096xf32> to vector<4096x1xf32>
    %eq3A_11 = arith.constant 1.000000e+00 : f32
    %eq3A_12 = vector.broadcast %eq3A_11 : f32 to vector<4096x1xf32>
    %eq3A_13 = arith.cmpf oeq, %broadcast_in_dim3A, %eq3A_12 : vector<4096x1xf32>
    %slice3A = vector.extract_strided_slice %get3A_3 {offsets = [0, 64], sizes = [4096, 64], strides = [1, 1]} : vector<4096x128xf32> to vector<4096x64xf32>
    %slice3A_14 = vector.extract_strided_slice %get3A_3 {offsets = [0, 0], sizes = [4096, 64], strides = [1, 1]} : vector<4096x128xf32> to vector<4096x64xf32>
    %broadcast_in_dim3A_15 = vector.shape_cast %eq3A_13 : vector<4096x1xi1> to vector<4096x1xi1>
    %broadcast_in_dim3A_16 = vector.broadcast %broadcast_in_dim3A_15 : vector<4096x1xi1> to vector<4096x64xi1>
    %select_n3A = arith.select %broadcast_in_dim3A_16, %slice3A, %slice3A_14 : vector<4096x64xi1>, vector<4096x64xf32>
    %convert_element_type3A_17 = arith.truncf %select_n3A : vector<4096x64xf32> to vector<4096x64xbf16>
    %get3A_18 = arith.constant 0 : index
    %get3A_19 = arith.constant 0 : index
    %get3A_20 = arith.constant 0 : index
    %get3A_21 = vector.load %arg4[%get3A_18, %get3A_19, %get3A_20] : memref<1x64x128xbf16, #tpu.memory_space<vmem>>, vector<1x64x128xbf16>
    %get3A_22 = vector.shape_cast %get3A_21 : vector<1x64x128xbf16> to vector<64x128xbf16>
    %dot_general3A = arith.constant dense<0.000000e+00> : vector<4096x128xf32>
    %dot_general3A_23 = tpu.matmul %convert_element_type3A_17, %get3A_22, %dot_general3A {dimension_numbers = #tpu.dot_dimension_numbers<[1], [0], [0], [1], [0, 0, 1, 1], [], []>, transpose_lhs_hint = false} : vector<4096x64xbf16>, vector<64x128xbf16>, vector<4096x128xf32> -> vector<4096x128xf32>
    %eq3A_24 = arith.constant 0 : i32
    %eq3A_25 = arith.cmpi eq, %arg1, %eq3A_24 : i32
    %convert_element_type3A_26 = arith.extui %eq3A_25 : i1 to i32
    %cond3A = arith.constant 0 : i32
    %cond3A_27 = arith.cmpi ne, %convert_element_type3A_26, %cond3A : i32
    scf.if %cond3A_27 {
      %get3A_32 = arith.constant 0 : index
      %get3A_33 = arith.constant 0 : index
      %get3A_34 = vector.load %arg5[%get3A_32, %get3A_33] : memref<1x128xf32, #tpu.memory_space<vmem>>, vector<1x128xf32>
      %add3A = vector.broadcast %get3A_34 : vector<1x128xf32> to vector<4096x128xf32>
      %add3A_35 = arith.addf %add3A, %dot_general3A_23 : vector<4096x128xf32>
      %swap3A = arith.constant 0 : index
      %swap3A_36 = arith.constant 0 : index
      %swap3A_37 = vector.load %arg6[%swap3A, %swap3A_36] : memref<4096x128xf32, #tpu.memory_space<vmem>>, vector<4096x128xf32>
      tpu.vector_store %arg6[%swap3A, %swap3A_36], %add3A_35 {strides = array<i32>} : memref<4096x128xf32, #tpu.memory_space<vmem>>, vector<4096x128xf32>,
    } else {
    }
    %ne3A = arith.constant 0 : i32
    %ne3A_28 = arith.cmpi ne, %arg1, %ne3A : i32
    %convert_element_type3A_29 = arith.extui %ne3A_28 : i1 to i32
    %cond3A_30 = arith.constant 0 : i32
    %cond3A_31 = arith.cmpi ne, %convert_element_type3A_29, %cond3A_30 : i32
    scf.if %cond3A_31 {
      %get3A_32 = arith.constant 0 : index
      %get3A_33 = arith.constant 0 : index
      %get3A_34 = vector.load %arg6[%get3A_32, %get3A_33] : memref<4096x128xf32, #tpu.memory_space<vmem>>, vector<4096x128xf32>
      %add3A = arith.addf %get3A_34, %dot_general3A_23 : vector<4096x128xf32>
      %swap3A = arith.constant 0 : index
      %swap3A_35 = arith.constant 0 : index
      %swap3A_36 = vector.load %arg6[%swap3A, %swap3A_35] : memref<4096x128xf32, #tpu.memory_space<vmem>>, vector<4096x128xf32>
      tpu.vector_store %arg6[%swap3A, %swap3A_35], %add3A {strides = array<i32>} : memref<4096x128xf32, #tpu.memory_space<vmem>>, vector<4096x128xf32>,
    } else {
    }
    return
  }
  func.func @transform_0(%arg0: i32, %arg1: i32) -> (i32, i32, i32) {
    %c0_i32 = arith.constant 0 : i32
    %c0_i32_0 = arith.constant 0 : i32
    return %arg1, %arg0, %c0_i32 : i32, i32, i32
  }
  func.func @transform_1(%arg0: i32, %arg1: i32) -> (i32, i32) {
    %c0_i32 = arith.constant 0 : i32
    %c0_i32_0 = arith.constant 0 : i32
    return %arg0, %c0_i32 : i32, i32
  }
  func.func @transform_2(%arg0: i32, %arg1: i32) -> (i32, i32, i32) {
    %c0_i32 = arith.constant 0 : i32
    %c0_i32_0 = arith.constant 0 : i32
    %c0_i32_1 = arith.constant 0 : i32
    return %arg1, %c0_i32, %c0_i32_0 : i32, i32, i32
  }
  func.func @transform_3(%arg0: i32, %arg1: i32) -> (i32, i32) {
    %c0_i32 = arith.constant 0 : i32
    %c0_i32_0 = arith.constant 0 : i32
    %c0_i32_1 = arith.constant 0 : i32
    return %c0_i32, %c0_i32_0 : i32, i32
  }
  func.func @transform_4(%arg0: i32, %arg1: i32) -> (i32, i32) {
    %c0_i32 = arith.constant 0 : i32
    %c0_i32_0 = arith.constant 0 : i32
    return %arg0, %c0_i32 : i32, i32
  }
}

</mosaic_0001>

<sc_bundles>
// kernel: kernel.4.cloned.1.call-start
scs
__scs_entry_jumppad:
0x0: {  	(pc) =	sbr.rel $0x88, $3  }
0x1: {  	(tag) =	ssettag $0x0;
	lr =	simm.s32 $0x1  }
0x2: {  	[smem:$0x3F9D] =	sst lr;
	_ =	strace $0xD0000000  }
0x3: {  	_ = 	snop  }
0x4: {  	_ = 	snop  }
0x5: {  	_ = 	snop  }
0x6: {  	_ = 	snop  }
0x7: {  	_ = 	snop  }
__scs_overlays_trampoline_lowered:
0x8: {  	[smem:$0x3FAC] =	sst s0  }
0x9: {  	[smem:$0x3FAD] =	sst s1  }
0xa: {  	[smem:$0x3FAE] =	sst s2  }
0xb: {  	[smem:$0x3FAF] =	sst s3  }
0xc: {  	[smem:$0x3FB0] =	sst s4  }
0xd: {  	[smem:$0x3FB1] =	sst s5  }
0xe: {  	[smem:$0x3FB2] =	sst s6  }
0xf: {  	[smem:$0x3FB3] =	sst s7  }
0x10: {  	[smem:$0x3FB4] =	sst s8  }
0x11: {  	[smem:$0x3FB5] =	sst s9;
	s0 =	simm.s32 @!p0 $0x0  }
0x12: {  	s1 =	sld [smem:$0x3F9B];
	s0 =	simm.s32 @p0 $0x1  }
0x13: {  	[smem:$0x3FB6] =	sst s0;
	s0 =	simm.s32 @!p1 $0x0  }
0x14: {  	s2 =	sld [smem:$0x3F9A];
	s0 =	simm.s32 @p1 $0x1  }
0x15: {  	[smem:$0x3FB7] =	sst s0;
	s0 =	simm.s32 @!p2 $0x0  }
0x16: {  	s3 =	sld [smem:$0x3FDB];
	s0 =	simm.s32 @p2 $0x1  }
0x17: {  	s4 =	simm.s32 $0x1BF5;
	[smem:$0x3FB9] =	sst s0  }
0x18: {  	s0 =	sld [smem:$0x3F9C];
	_ =	swait.ge [sflag:s4], $0x0  }
0x19: {  	s7 =	sld [smem:$0x3F9D]  }
0x1a: {  	s8 =	sadd.s32 $0xFFFFE003, lr  }
0x1b: {  	s9 =	sadd.s32 $0xFFFFFEF7, lr;
	s5 =	simm.s32 $0xFFFFFFFF;
	p2 =	slt.u32 s8, $0xFFFFF086  }
0x1c: {  	p1 =	slt.u32 s9, $0xF7A;
	s5 =	simm.s32 @!p2 $0x0  }
0x1d: {  	s5 =	simm.s32 @p1 $0x1;
	p0 =	seq.s32 s7, s2  }
0x1e: {  	s7 =	smul.u32 @!p0 $0xF7A, s2;
	p2 =	seq.s32 @!p0 s5, $0x0  }
0x1f: {  	s9 =	smul.u32 $0xF7A, s1;
	s8 =	simm.s32 @!p0 $0x1BF5;
	p2 =	por !p2, p0  }
0x20: {  	[sflag:s8] =	ssyncset.s32 @!p0 $0xFFFFF086;
	s6 =	sadd.s32 @!p0 s3, s7;
	s7 =	simm.s32 @!p0 $0x108  }
0x21: {  	s3 =	sadd.s32 s3, s9;
	s6 =	sadd.s32 @!p0 $0x88, s6;
	s7 =	simm.s32 @p2 $0x1082  }
0x22: {  	[simem:s7], [sflag:s8] =	dma.local @!p0 [hbm:s6], $0xF7A  }
0x23: {  	s9 =	sor.u32 $0xD0000000, s2;
	s6 =	simm.s32 $0x108;
	_ =	swait.ge @!p0 [sflag:s8], $0x0  }
0x24: {  	s3 =	sadd.s32 $0x88, s3;
	s6 =	simm.s32 @!p1 $0x1082;
	[sflag:s4] =	ssyncset.s32 $0xFFFFF086  }
0x25: {  	[simem:s6], [sflag:s4] =	dma.local [hbm:s3], $0xF7A  }
0x26: {  	[smem:$0x3F9D] =	sst s1;
	(tag) =	ssettag s2;
	_ =	strace s9  }
0x27: {  	s1 =	sld [smem:$0x3FAD]  }
0x28: {  	s2 =	sld [smem:$0x3FAE]  }
0x29: {  	s4 =	sld [smem:$0x3FB0]  }
0x2a: {  	p0 =	seq.s32 s5, $0x0;
	s5 =	sld [smem:$0x3FB1]  }
0x2b: {  	s6 =	sld [smem:$0x3FB2]  }
0x2c: {  	s7 =	sld [smem:$0x3FB3]  }
0x2d: {  	s3 =	simm.s32 $0x108;
	s8 =	sld [smem:$0x3FB4]  }
0x2e: {  	s3 =	simm.s32 @!p0 $0x1082;
	s9 =	sld [smem:$0x3FB5]  }
0x2f: {  	lr =	sadd.s32 s0, s3;
	s0 =	sld [smem:$0x3FAC]  }
0x30: {  	s3 =	sld [smem:$0x3FAF]  }
0x31: {  	[smem:$0x3FB8] =	sst s10  }
0x32: {  	s10 =	sld [smem:$0x3FB6];
	_ =	sdelay $0x3  }
0x33: {  	p0 =	seq.s32 s10, $0x1;
	s10 =	sld [smem:$0x3FB8];
	_ =	sdelay $0x3  }
0x34: {  	[smem:$0x3FB8] =	sst s10  }
0x35: {  	s10 =	sld [smem:$0x3FB7];
	_ =	sdelay $0x3  }
0x36: {  	p1 =	seq.s32 s10, $0x1;
	s10 =	sld [smem:$0x3FB8];
	_ =	sdelay $0x3  }
0x37: {  	[smem:$0x3FB8] =	sst s10  }
0x38: {  	s10 =	sld [smem:$0x3FB9]  }
0x39: {  	_ = 	snop;
	(pc) =	sbr.ind lr, $3  }
0x3a: {  	_ = 	snop  }
0x3b: {  	_ = 	snop  }
0x3c: {  	p2 =	seq.s32 s10, $0x1;
	s10 =	sld [smem:$0x3FB8]  }
0x3d: {  	_ =	shalt  }
0x3e: {  	_ =	shalt  }
0x3f: {  	_ =	shalt  }
0x40: {  	_ =	shalt  }
0x41: {  	_ =	shalt  }
0x42: {  	_ =	shalt  }
0x43: {  	_ =	shalt  }
0x44: {  	_ =	shalt  }
0x45: {  	_ =	shalt  }
0x46: {  	_ =	shalt  }
0x47: {  	_ =	shalt  }
0x48: {  	_ =	shalt  }
0x49: {  	_ =	shalt  }
0x4a: {  	_ =	shalt  }
0x4b: {  	_ =	shalt  }
0x4c: {  	_ =	shalt  }
0x4d: {  	_ =	shalt  }
0x4e: {  	_ =	shalt  }
0x4f: {  	_ =	shalt  }
0x50: {  	_ =	shalt  }
0x51: {  	_ =	shalt  }
0x52: {  	_ =	shalt  }
0x53: {  	_ =	shalt  }
0x54: {  	_ =	shalt  }
0x55: {  	_ =	shalt  }
0x56: {  	_ =	shalt  }
0x57: {  	_ =	shalt  }
0x58: {  	_ =	shalt  }
0x59: {  	_ =	shalt  }
0x5a: {  	_ =	shalt  }
0x5b: {  	_ =	shalt  }
0x5c: {  	_ =	shalt  }
0x5d: {  	_ =	shalt  }
0x5e: {  	_ =	shalt  }
0x5f: {  	_ =	shalt  }
0x60: {  	_ =	shalt  }
0x61: {  	_ =	shalt  }
0x62: {  	_ =	shalt  }
0x63: {  	_ =	shalt  }
0x64: {  	_ =	shalt  }
0x65: {  	_ =	shalt  }
0x66: {  	_ =	shalt  }
0x67: {  	_ =	shalt  }
0x68: {  	_ =	shalt  }
0x69: {  	_ =	shalt  }
0x6a: {  	_ =	shalt  }
0x6b: {  	_ =	shalt  }
0x6c: {  	_ =	shalt  }
0x6d: {  	_ =	shalt  }
0x6e: {  	_ =	shalt  }
0x6f: {  	_ =	shalt  }
0x70: {  	_ =	shalt  }
0x71: {  	_ =	shalt  }
0x72: {  	_ =	shalt  }
0x73: {  	_ =	shalt  }
0x74: {  	_ =	shalt  }
0x75: {  	_ =	shalt  }
0x76: {  	_ =	shalt  }
0x77: {  	_ =	shalt  }
0x78: {  	_ =	shalt  }
0x79: {  	_ =	shalt  }
0x7a: {  	_ =	shalt  }
0x7b: {  	_ =	shalt  }
0x7c: {  	_ =	shalt  }
0x7d: {  	_ =	shalt  }
0x7e: {  	_ =	shalt  }
0x7f: {  	_ =	shalt  }
0x80: {  	_ =	shalt  }
0x81: {  	_ =	shalt  }
0x82: {  	_ =	shalt  }
0x83: {  	_ =	shalt  }
0x84: {  	_ =	shalt  }
0x85: {  	_ =	shalt  }
0x86: {  	_ =	shalt  }
0x87: {  	_ =	shalt  }
.Lfunc_end0:
.L_simem_size_0:
called_computation_lowered:
.L_overlay_start_0:
0x88: {  	s2 =	sld [smem:$0x3FD9]  }
0x89: {  	s3 =	sld [smem:$0x3FFE];
	_ =	sdelay $0x1  }
0x8a: {  	s1 =	srdreg.scid  }
0x8b: {  	s0 =	sand.u32 $0x1, s1  }
0x8c: {  	s17 =	sshll.u32 s0, $0xA;
	s2 =	sadd.s32 s3, s2  }
0x8d: {  	s2 =	sadd.s32 s2, s17  }
0x8e: {  	[smem:$0x3FC4] =	sst s2  }
0x8f: {  	_ = 	snop  }
0x90: {  	s2 =	sld [smem:$0x3FD0];
	(tm) =	ssettm $0x1  }
0x91: {  	s18 =	sld [smem:$0x3FFB];
	_ =	sdelay $0x3  }
0x92: {  	_ =	strace s18  }
0x93: {  	s3 =	sld [smem:$0x3FFC];
	_ =	sdelay $0x3  }
0x94: {  	_ =	strace s3  }
0x95: {  	s3 =	sld [smem:$0x3FFD];
	_ =	sdelay $0x3  }
0x96: {  	_ =	strace s3  }
0x97: {  	_ =	strace $0x8FFFFFFF  }
0x98: {  	s19 =	sld [smem:$0x3FDB];
	_ =	sdelay $0x1  }
0x99: {  	s4 =	simm.s32 $_scs_section_size  }
0x9a: {  	s5 =	simm.s32 $_size__tile_overlayer_lowered;
	s6 =	simm.s32 $_tile_overlayer_lowered  }
0x9b: {  	s22 =	simm.s32 $0x1BFF;
	s21 =	sshll.u32 s6, $0x1;
	s3 =	sadd.s32 s4, s19  }
0x9c: {  	s7 =	simm.s32 $0x0;
	s20 =	sshll.u32 s5, $0x1;
	s5 =	sadd.s32 s21, s3  }
0x9d: {  	[timem:s7], [sflag:s22] =	dma.local [hbm:s5], s20  }
0x9e: {  	_ =	swait.ge [sflag:s22], s20  }
0x9f: {  	s4 =	ssub.s32 $0x0, s20;
	[sflag:s22] =	ssyncset.done $0x0  }
0xa0: {  	[sflag:s22] =	ssyncadd.s32 s4;
	_ =	sdelay $0x1  }
0xa1: {  	s23 =	simm.s32 $0x1B8B  }
0xa2: {  	_ =	swait.ge [sflag:s23], $0x1  }
0xa3: {  	[sflag:s23] =	ssyncset.done $0x0  }
0xa4: {  	s25 =	simm.s32 $0x1B8E;
	s24 =	sld [smem:$0x3FFE];
	[sflag:s23] =	ssyncadd.s32 $0xFFFFFFFF  }
0xa5: {  	s26 =	simm.s32 $execute0_lowered;
	[smem:$0x3FD2] =	sst s25  }
0xa6: {  	s5 =	sshll.u32 s26, $0x1;
	_ =	strace $0x80000046;
	[dreg:$0x1] =	wrdreg $0xFFFFFFFF  }
0xa7: {  	s28 =	simm.s32 $_size_execute0_lowered;
	s3 =	sadd.s32 s3, s5;
	[dreg:$0x0] =	wrdreg $0x0  }
0xa8: {  	s5 =	sshll.u32 s28, $0x1;
	[dreg:$0x2] =	wrdreg s3  }
0xa9: {  	[dreg:$0x3] =	wrdreg s5  }
0xaa: {  	[dreg:$0x4] =	wrdreg $0xC0  }
0xab: {  	_ =	task [dreg:s7], $0x5FFFF  }
0xac: {  	[dreg:$0x1] =	wrdreg $0xFFFFFFFF  }
0xad: {  	[dreg:$0x0] =	wrdreg $0x60  }
0xae: {  	[dreg:$0x2] =	wrdreg s24  }
0xaf: {  	[dreg:$0x3] =	wrdreg s2  }
0xb0: {  	[dreg:$0x4] =	wrdreg $0x9  }
0xb1: {  	_ =	task.clear_ibuf [dreg:s7], $0x5FFFF;
	_ =	strace $0x90000046  }
0xb2: {  	s29 =	simm.s32 $0x9;
	_ =	strace $0x80000048  }
0xb3: {  	_ =	swait.ge [sflag:s29], $0x1  }
0xb4: {  	[sflag:s29] =	ssyncadd.s32 $0xFFFFFFFF  }
0xb5: {  	_ =	strace $0x90000048  }
0xb6: {  	_ =	sfence  }
0xb7: {  	s30 =	sld [smem:$0x0];
	_ =	sdelay $0x2  }
0xb8: {  	s31 =	sshll.u32 s1, $0xD;
	s1 =	sshrl.u32 s1, $0x2  }
0xb9: {  	s3 =	sand.u32 $0x4000, s31;
	s1 =	sadd.s32 s1, s30  }
0xba: {  	s0 =	sor.u32 s3, s0;
	s1 =	sshll.u32 s1, $0x11  }
0xbb: {  	s0 =	sor.u32 s1, s0  }
0xbc: {  	s0 =	sadd.s32 $0x8F2B, s0  }
0xbd: {  	[sflag:s0] =	ssyncadd.remote.s32 $0x1  }
0xbe: {  	_ =	sfence.sel $0xFFFF  }
0xbf: {  	[dreg:$0x0] =	wrdreg $0xFFFFFFFF;
	(pc) =	sbr.abs _section_cstart, $3  }
0xc0: {  	[dreg:$0x1] =	wrdreg $0xFFFFFFFF  }
0xc1: {  	_ =	task.clear_ibuf [dreg:s7], $0x2FFFF;
	_ =	strace $0x9FFFFFFF  }
0xc2: {  	(tm) =	ssettm $0x7FFFFFFF  }
0xc3: {  	_ =	shalt  }
tec
execute0_lowered:
.L_overlay_start_1:
0x0: {  	(tag) =	ssettag $0x1  }
0x1: {  	s0 =	srdreg.scid;
	s17 =	stileid.u32  }
0x2: {  	s0 =	sand.u32 $0x1, s0;
	s2 =	sshll.u32 s17, $0x1  }
0x3: {  	s4 =	sor.u32 s0, s2  }
0x4: {  	s1 =	rddreg [dreg:$0x0];
	s5 =	smul.u32 $0x1A0, s4  }
0x5: {  	s3 =	rddreg [dreg:$0x1];
	s2 =	simm.s32 $0x0;
	s4 =	sshll.u32 s4, $0xB  }
0x6: {  	[smem:$0x7FF] =	sst s2;
	s4 =	sadd.s32 s4, s1;
	s3 =	sadd.s32 s3, s5  }
0x7: {  	_ =	strace $0x80000047;
	s9 =	sadd.s32 $0x24AA00, s4;
	[dreg:$0x3] =	wrdreg s3  }
0x8: {  	s10 =	sadd.s32 $0x25AA00, s4;
	[dreg:$0x4] =	wrdreg s9  }
0x9: {  	s11 =	sadd.s32 $0x26AA00, s4;
	[dreg:$0x5] =	wrdreg s10  }
0xa: {  	s12 =	sadd.s32 $0x27AA00, s4;
	[dreg:$0x6] =	wrdreg s11  }
0xb: {  	s13 =	sadd.s32 $0x28AA00, s4;
	[dreg:$0x7] =	wrdreg s12  }
0xc: {  	s14 =	sadd.s32 $0x29AA00, s4;
	[dreg:$0x8] =	wrdreg s13  }
0xd: {  	s15 =	sadd.s32 $0x2AAA00, s4;
	[dreg:$0x9] =	wrdreg s14  }
0xe: {  	s16 =	sadd.s32 $0x2BAA00, s4;
	[dreg:$0xa] =	wrdreg s15  }
0xf: {  	s18 =	sadd.s32 $0x2CAA00, s4;
	[dreg:$0xb] =	wrdreg s16  }
0x10: {  	s19 =	sadd.s32 $0x2DAA00, s4;
	[dreg:$0xc] =	wrdreg s18  }
0x11: {  	s20 =	sadd.s32 $0x2EAA00, s4;
	[dreg:$0xd] =	wrdreg s19  }
0x12: {  	s21 =	sadd.s32 $0x2FAA00, s4;
	[dreg:$0xe] =	wrdreg s20  }
0x13: {  	s22 =	sadd.s32 $0x30AA00, s4;
	[dreg:$0xf] =	wrdreg s21  }
0x14: {  	s23 =	sadd.s32 $0x31AA00, s4;
	[dreg:$0x10] =	wrdreg s22  }
0x15: {  	s24 =	sadd.s32 $0x32AA00, s4;
	[dreg:$0x11] =	wrdreg s23  }
0x16: {  	s31 =	simm.s32 $0x9;
	s25 =	sadd.s32 $0x33AA00, s4;
	[dreg:$0x12] =	wrdreg s24  }
0x17: {  	s30 =	simm.s32 $0x700;
	s26 =	sadd.s32 $0x34AA00, s4;
	[dreg:$0x13] =	wrdreg s25  }
0x18: {  	s29 =	simm.s32 $0x780;
	s5 =	sadd.s32 $0x35AA00, s4;
	[dreg:$0x14] =	wrdreg s26  }
0x19: {  	s28 =	simm.s32 $0x800;
	s6 =	sadd.s32 $0x36AA00, s4;
	[dreg:$0x15] =	wrdreg s5  }
0x1a: {  	p0 =	por $0x0, $0x0;
	s7 =	sadd.s32 $0x37AA00, s4;
	[dreg:$0x16] =	wrdreg s6  }
0x1b: {  	s0 =	ssub.s32 $0x2, s0;
	s8 =	sadd.s32 $0x38AA00, s4;
	[dreg:$0x17] =	wrdreg s7  }
0x1c: {  	[dreg:$0x18] =	wrdreg s8;
	s9 =	sadd.s32 $0x39AA00, s4;
	s10 =	sadd.s32 $0x3AAA00, s4  }
0x1d: {  	s11 =	sadd.s32 $0x3BAA00, s4;
	s12 =	sadd.s32 $0x3CAA00, s4;
	s13 =	sshrl.u32 s0, $0x1  }
0x1e: {  	s14 =	sadd.s32 $0x3DAA00, s4;
	s4 =	sadd.s32 $0x187400, s1;
	[dreg:$0x19] =	wrdreg s9  }
0x1f: {  	s6 =	simm.s32 $0x80;
	s5 =	simm.s32 $0xD00;
	[dreg:$0x1a] =	wrdreg s10  }
0x20: {  	s3 =	simm.s32 $0x4D00;
	s15 =	simm.s32 $0x100;
	[dreg:$0x1b] =	wrdreg s11  }
0x21: {  	s7 =	simm.s32 $0x1;
	s16 =	simm.s32 $0x180;
	[dreg:$0x1c] =	wrdreg s12  }
0x22: {  	s18 =	simm.s32 $0x200;
	s19 =	simm.s32 $0x280;
	[dreg:$0x1d] =	wrdreg s14  }
0x23: {  	s20 =	simm.s32 $0x300;
	s21 =	simm.s32 $0x380;
	[dreg:$0x1e] =	wrdreg s15  }
0x24: {  	s8 =	simm.s32 $0x5;
	s22 =	simm.s32 $0x400;
	[dreg:$0x1f] =	wrdreg s16  }
0x25: {  	s23 =	simm.s32 $0x480;
	s24 =	simm.s32 $0x500;
	[smem:$0x7F5] =	sst s18  }
0x26: {  	s25 =	simm.s32 $0x580;
	s26 =	simm.s32 $0x600;
	[smem:$0x7F6] =	sst s19  }
0x27: {  	s0 =	ssub.s32 s0, s13;
	s14 =	simm.s32 $0x8D00;
	[smem:$0x7F7] =	sst s20  }
0x28: {  	s9 =	simm.s32 $0x2;
	s13 =	simm.s32 $0xCD00;
	[smem:$0x7F8] =	sst s21  }
0x29: {  	s16 =	simm.s32 $0x3;
	s15 =	simm.s32 $0x4;
	[smem:$0x7F9] =	sst s22  }
0x2a: {  	s10 =	simm.s32 $0x6;
	[smem:$0x7FA] =	sst s23;
	s0 =	smax.u32 s0, $0x1  }
0x2b: {  	s11 =	simm.s32 $0x7;
	[smem:$0x7FB] =	sst s24;
	p1 =	sne.s32 s0, $0x1  }
.Ltmp0:
0x2c: {  	s12 =	simm.s32 $0x8;
	[smem:$0x7FC] =	sst s25;
	(pc) =	sbr.rel @!p1 .LBB2_1-.Ltmp0, $4  }
0x2d: {  	[smem:$0x7FD] =	sst s26;
	s26 =	simm.s32 $0x880;
	s25 =	simm.s32 $0x900  }
0x2e: {  	s24 =	simm.s32 $0x980;
	s23 =	simm.s32 $0xA00;
	s22 =	simm.s32 $0xA80  }
0x2f: {  	s21 =	simm.s32 $0xB00;
	s20 =	simm.s32 $0xB80;
	s19 =	simm.s32 $0xC00  }
0x30: {  	s18 =	simm.s32 $0xC80;
	s1 =	sadd.s32 $0xFFFFFFFF, s0;
	s0 =	rddreg [dreg:$0x3]  }
0x31: {  	[tilespmem:s2], [sflag:$0x9] =	stream.linear.gather [hbm4b:s0+s2], $0xD00, $0x38;
	[tilespmem:$0x10D00] =	vst v63  }
0x32: {  	_ =	swait.ge [sflag:s31], $0xD00  }
0x33: {  	[sflag:s31] =	ssyncset.done $0x0  }
0x34: {  	[sflag:s31] =	ssyncadd.s32 $0xFFFFF300  }
0x35: {  	[tilespmem:s5], [sflag:$0x1] =	stream.indirect.gather [hbm4b:s4+s6], $0x80, s2, s6, $0xb8;
	[tilespmem:$0x10D00] =	vst v63  }
0x36: {  	_ = 	snop  }
0x37: {  	[tilespmem:s3], [sflag:$0x2] =	stream.indirect.gather [hbm4b:s4+s6], $0x80, s6, s6, $0xb8;
	[tilespmem:$0x10D00] =	vst v63  }
0x38: {  	_ =	swait.ge [sflag:s7], $0x4000  }
0x39: {  	[sflag:s7] =	ssyncset.done $0x0  }
0x3a: {  	s0 =	rddreg [dreg:$0x4];
	[sflag:s7] =	ssyncadd.s32 $0xFFFFC000  }
0x3b: {  	[hbm4b:s0+s2] =	stream.linear.scatter [tilespmem:s5], [sflag:$0x5], $0x4000, $0x38;
	[tilespmem:$0x10D00] =	vst v63  }
0x3c: {  	s17 =	smov.u32 s1;
	s1 =	rddreg [dreg:$0x1e]  }
0x3d: {  	[tilespmem:s14], [sflag:$0x3] =	stream.indirect.gather [hbm4b:s4+s6], $0x80, s1, s6, $0xb8;
	[tilespmem:$0x10D00] =	vst v63  }
0x3e: {  	_ =	swait.ge [sflag:s9], $0x4000  }
0x3f: {  	[sflag:s9] =	ssyncset.done $0x0  }
0x40: {  	s0 =	rddreg [dreg:$0x5];
	[sflag:s9] =	ssyncadd.s32 $0xFFFFC000  }
0x41: {  	[hbm4b:s0+s2] =	stream.linear.scatter [tilespmem:s3], [sflag:$0x6], $0x4000, $0x38;
	[tilespmem:$0x10D00] =	vst v63  }
0x42: {  	s1 =	rddreg [dreg:$0x1f]  }
0x43: {  	[tilespmem:s13], [sflag:$0x4] =	stream.indirect.gather [hbm4b:s4+s6], $0x80, s1, s6, $0xb8;
	[tilespmem:$0x10D00] =	vst v63  }
0x44: {  	_ =	swait.ge [sflag:s16], $0x4000  }
0x45: {  	[sflag:s16] =	ssyncset.done $0x0  }
0x46: {  	s1 =	rddreg [dreg:$0x6];
	[sflag:s16] =	ssyncadd.s32 $0xFFFFC000  }
0x47: {  	[hbm4b:s1+s2] =	stream.linear.scatter [tilespmem:s14], [sflag:$0x7], $0x4000, $0x38;
	[tilespmem:$0x10D00] =	vst v63  }
0x48: {  	_ =	swait.ge [sflag:s8], $0x4000  }
0x49: {  	s1 =	sld [smem:$0x7F5]  }
0x4a: {  	[sflag:s8] =	ssyncset.done $0x0  }
0x4b: {  	[sflag:s8] =	ssyncadd.s32 $0xFFFFC000  }
0x4c: {  	[tilespmem:s5], [sflag:$0x1] =	stream.indirect.gather [hbm4b:s4+s6], $0x80, s1, s6, $0xb8;
	[tilespmem:$0x10D00] =	vst v63  }
0x4d: {  	_ =	swait.ge [sflag:s15], $0x4000  }
0x4e: {  	[sflag:s15] =	ssyncset.done $0x0  }
0x4f: {  	s1 =	rddreg [dreg:$0x7];
	[sflag:s15] =	ssyncadd.s32 $0xFFFFC000  }
0x50: {  	[hbm4b:s1+s2] =	stream.linear.scatter [tilespmem:s13], [sflag:$0x8], $0x4000, $0x38;
	[tilespmem:$0x10D00] =	vst v63  }
0x51: {  	_ =	swait.ge [sflag:s10], $0x4000  }
0x52: {  	s1 =	sld [smem:$0x7F6]  }
0x53: {  	[sflag:s10] =	ssyncset.done $0x0  }
0x54: {  	[sflag:s10] =	ssyncadd.s32 $0xFFFFC000  }
0x55: {  	[tilespmem:s3], [sflag:$0x2] =	stream.indirect.gather [hbm4b:s4+s6], $0x80, s1, s6, $0xb8;
	[tilespmem:$0x10D00] =	vst v63  }
0x56: {  	_ =	swait.ge [sflag:s7], $0x4000  }
0x57: {  	[sflag:s7] =	ssyncset.done $0x0  }
0x58: {  	s1 =	rddreg [dreg:$0x8];
	[sflag:s7] =	ssyncadd.s32 $0xFFFFC000  }
0x59: {  	[hbm4b:s1+s2] =	stream.linear.scatter [tilespmem:s5], [sflag:$0x5], $0x4000, $0x38;
	[tilespmem:$0x10D00] =	vst v63  }
0x5a: {  	_ =	swait.ge [sflag:s11], $0x4000  }
0x5b: {  	s1 =	sld [smem:$0x7F7]  }
0x5c: {  	[sflag:s11] =	ssyncset.done $0x0  }
0x5d: {  	[sflag:s11] =	ssyncadd.s32 $0xFFFFC000  }
0x5e: {  	[tilespmem:s14], [sflag:$0x3] =	stream.indirect.gather [hbm4b:s4+s6], $0x80, s1, s6, $0xb8;
	[tilespmem:$0x10D00] =	vst v63  }
0x5f: {  	_ =	swait.ge [sflag:s9], $0x4000  }
0x60: {  	[sflag:s9] =	ssyncset.done $0x0  }
0x61: {  	s1 =	rddreg [dreg:$0x9];
	[sflag:s9] =	ssyncadd.s32 $0xFFFFC000  }
0x62: {  	[hbm4b:s1+s2] =	stream.linear.scatter [tilespmem:s3], [sflag:$0x6], $0x4000, $0x38;
	[tilespmem:$0x10D00] =	vst v63  }
0x63: {  	_ =	swait.ge [sflag:s12], $0x4000  }
0x64: {  	s1 =	sld [smem:$0x7F8]  }
0x65: {  	[sflag:s12] =	ssyncset.done $0x0  }
0x66: {  	[sflag:s12] =	ssyncadd.s32 $0xFFFFC000  }
0x67: {  	[tilespmem:s13], [sflag:$0x4] =	stream.indirect.gather [hbm4b:s4+s6], $0x80, s1, s6, $0xb8;
	[tilespmem:$0x10D00] =	vst v63  }
0x68: {  	_ =	swait.ge [sflag:s16], $0x4000  }
0x69: {  	[sflag:s16] =	ssyncset.done $0x0  }
0x6a: {  	s1 =	rddreg [dreg:$0xa];
	[sflag:s16] =	ssyncadd.s32 $0xFFFFC000  }
0x6b: {  	[hbm4b:s1+s2] =	stream.linear.scatter [tilespmem:s14], [sflag:$0x7], $0x4000, $0x38;
	[tilespmem:$0x10D00] =	vst v63  }
0x6c: {  	_ =	swait.ge [sflag:s8], $0x4000  }
0x6d: {  	s1 =	sld [smem:$0x7F9]  }
0x6e: {  	[sflag:s8] =	ssyncset.done $0x0  }
0x6f: {  	[sflag:s8] =	ssyncadd.s32 $0xFFFFC000  }
0x70: {  	[tilespmem:s5], [sflag:$0x1] =	stream.indirect.gather [hbm4b:s4+s6], $0x80, s1, s6, $0xb8;
	[tilespmem:$0x10D00] =	vst v63  }
0x71: {  	_ =	swait.ge [sflag:s15], $0x4000  }
0x72: {  	[sflag:s15] =	ssyncset.done $0x0  }
0x73: {  	s1 =	rddreg [dreg:$0xb];
	[sflag:s15] =	ssyncadd.s32 $0xFFFFC000  }
0x74: {  	[hbm4b:s1+s2] =	stream.linear.scatter [tilespmem:s13], [sflag:$0x8], $0x4000, $0x38;
	[tilespmem:$0x10D00] =	vst v63  }
0x75: {  	_ =	swait.ge [sflag:s10], $0x4000  }
0x76: {  	s1 =	sld [smem:$0x7FA]  }
0x77: {  	[sflag:s10] =	ssyncset.done $0x0  }
0x78: {  	[sflag:s10] =	ssyncadd.s32 $0xFFFFC000  }
0x79: {  	[tilespmem:s3], [sflag:$0x2] =	stream.indirect.gather [hbm4b:s4+s6], $0x80, s1, s6, $0xb8;
	[tilespmem:$0x10D00] =	vst v63  }
0x7a: {  	_ =	swait.ge [sflag:s7], $0x4000  }
0x7b: {  	[sflag:s7] =	ssyncset.done $0x0  }
0x7c: {  	s1 =	rddreg [dreg:$0xc];
	[sflag:s7] =	ssyncadd.s32 $0xFFFFC000  }
0x7d: {  	[hbm4b:s1+s2] =	stream.linear.scatter [tilespmem:s5], [sflag:$0x5], $0x4000, $0x38;
	[tilespmem:$0x10D00] =	vst v63  }
0x7e: {  	_ =	swait.ge [sflag:s11], $0x4000  }
0x7f: {  	s1 =	sld [smem:$0x7FB]  }
0x80: {  	[sflag:s11] =	ssyncset.done $0x0  }
0x81: {  	[sflag:s11] =	ssyncadd.s32 $0xFFFFC000  }
0x82: {  	[tilespmem:s14], [sflag:$0x3] =	stream.indirect.gather [hbm4b:s4+s6], $0x80, s1, s6, $0xb8;
	[tilespmem:$0x10D00] =	vst v63  }
0x83: {  	_ =	swait.ge [sflag:s9], $0x4000  }
0x84: {  	[sflag:s9] =	ssyncset.done $0x0  }
0x85: {  	s1 =	rddreg [dreg:$0xd];
	[sflag:s9] =	ssyncadd.s32 $0xFFFFC000  }
0x86: {  	[hbm4b:s1+s2] =	stream.linear.scatter [tilespmem:s3], [sflag:$0x6], $0x4000, $0x38;
	[tilespmem:$0x10D00] =	vst v63  }
0x87: {  	_ =	swait.ge [sflag:s12], $0x4000  }
0x88: {  	s1 =	sld [smem:$0x7FC]  }
0x89: {  	[sflag:s12] =	ssyncset.done $0x0  }
0x8a: {  	[sflag:s12] =	ssyncadd.s32 $0xFFFFC000  }
0x8b: {  	[tilespmem:s13], [sflag:$0x4] =	stream.indirect.gather [hbm4b:s4+s6], $0x80, s1, s6, $0xb8;
	[tilespmem:$0x10D00] =	vst v63  }
0x8c: {  	_ =	swait.ge [sflag:s16], $0x4000  }
0x8d: {  	[sflag:s16] =	ssyncset.done $0x0  }
0x8e: {  	s1 =	rddreg [dreg:$0xe];
	[sflag:s16] =	ssyncadd.s32 $0xFFFFC000  }
0x8f: {  	[hbm4b:s1+s2] =	stream.linear.scatter [tilespmem:s14], [sflag:$0x7], $0x4000, $0x38;
	[tilespmem:$0x10D00] =	vst v63  }
0x90: {  	_ =	swait.ge [sflag:s8], $0x4000  }
0x91: {  	s1 =	sld [smem:$0x7FD]  }
0x92: {  	[sflag:s8] =	ssyncset.done $0x0  }
0x93: {  	[sflag:s8] =	ssyncadd.s32 $0xFFFFC000  }
0x94: {  	[tilespmem:s5], [sflag:$0x1] =	stream.indirect.gather [hbm4b:s4+s6], $0x80, s1, s6, $0xb8;
	[tilespmem:$0x10D00] =	vst v63  }
0x95: {  	_ =	swait.ge [sflag:s15], $0x4000  }
0x96: {  	[sflag:s15] =	ssyncset.done $0x0  }
0x97: {  	s1 =	rddreg [dreg:$0xf];
	[sflag:s15] =	ssyncadd.s32 $0xFFFFC000  }
0x98: {  	[hbm4b:s1+s2] =	stream.linear.scatter [tilespmem:s13], [sflag:$0x8], $0x4000, $0x38;
	[tilespmem:$0x10D00] =	vst v63  }
0x99: {  	_ =	swait.ge [sflag:s10], $0x4000  }
0x9a: {  	[sflag:s10] =	ssyncset.done $0x0  }
0x9b: {  	s1 =	simm.s32 $0x680;
	[sflag:s10] =	ssyncadd.s32 $0xFFFFC000  }
0x9c: {  	[tilespmem:s3], [sflag:$0x2] =	stream.indirect.gather [hbm4b:s4+s6], $0x80, s1, s6, $0xb8;
	[tilespmem:$0x10D00] =	vst v63  }
0x9d: {  	_ =	swait.ge [sflag:s7], $0x4000  }
0x9e: {  	[sflag:s7] =	ssyncset.done $0x0  }
0x9f: {  	s1 =	rddreg [dreg:$0x10];
	[sflag:s7] =	ssyncadd.s32 $0xFFFFC000  }
0xa0: {  	[hbm4b:s1+s2] =	stream.linear.scatter [tilespmem:s5], [sflag:$0x5], $0x4000, $0x38;
	[tilespmem:$0x10D00] =	vst v63  }
0xa1: {  	_ =	swait.ge [sflag:s11], $0x4000  }
0xa2: {  	[sflag:s11] =	ssyncset.done $0x0  }
0xa3: {  	[sflag:s11] =	ssyncadd.s32 $0xFFFFC000  }
0xa4: {  	[tilespmem:s14], [sflag:$0x3] =	stream.indirect.gather [hbm4b:s4+s6], $0x80, s30, s6, $0xb8;
	[tilespmem:$0x10D00] =	vst v63  }
0xa5: {  	_ =	swait.ge [sflag:s9], $0x4000  }
0xa6: {  	[sflag:s9] =	ssyncset.done $0x0  }
0xa7: {  	s1 =	rddreg [dreg:$0x11];
	[sflag:s9] =	ssyncadd.s32 $0xFFFFC000  }
0xa8: {  	[hbm4b:s1+s2] =	stream.linear.scatter [tilespmem:s3], [sflag:$0x6], $0x4000, $0x38;
	[tilespmem:$0x10D00] =	vst v63  }
0xa9: {  	_ =	swait.ge [sflag:s12], $0x4000  }
0xaa: {  	[sflag:s12] =	ssyncset.done $0x0  }
0xab: {  	[sflag:s12] =	ssyncadd.s32 $0xFFFFC000  }
0xac: {  	[tilespmem:s13], [sflag:$0x4] =	stream.indirect.gather [hbm4b:s4+s6], $0x80, s29, s6, $0xb8;
	[tilespmem:$0x10D00] =	vst v63  }
0xad: {  	_ =	swait.ge [sflag:s16], $0x4000  }
0xae: {  	[sflag:s16] =	ssyncset.done $0x0  }
0xaf: {  	s1 =	rddreg [dreg:$0x12];
	[sflag:s16] =	ssyncadd.s32 $0xFFFFC000  }
0xb0: {  	[hbm4b:s1+s2] =	stream.linear.scatter [tilespmem:s14], [sflag:$0x7], $0x4000, $0x38;
	[tilespmem:$0x10D00] =	vst v63  }
0xb1: {  	_ =	swait.ge [sflag:s8], $0x4000  }
0xb2: {  	[sflag:s8] =	ssyncset.done $0x0  }
0xb3: {  	[sflag:s8] =	ssyncadd.s32 $0xFFFFC000  }
0xb4: {  	[tilespmem:s5], [sflag:$0x1] =	stream.indirect.gather [hbm4b:s4+s6], $0x80, s28, s6, $0xb8;
	[tilespmem:$0x10D00] =	vst v63  }
0xb5: {  	_ =	swait.ge [sflag:s15], $0x4000  }
0xb6: {  	[sflag:s15] =	ssyncset.done $0x0  }
0xb7: {  	s1 =	rddreg [dreg:$0x13];
	[sflag:s15] =	ssyncadd.s32 $0xFFFFC000  }
0xb8: {  	[hbm4b:s1+s2] =	stream.linear.scatter [tilespmem:s13], [sflag:$0x8], $0x4000, $0x38;
	[tilespmem:$0x10D00] =	vst v63  }
0xb9: {  	_ =	swait.ge [sflag:s10], $0x4000  }
0xba: {  	[sflag:s10] =	ssyncset.done $0x0  }
0xbb: {  	[sflag:s10] =	ssyncadd.s32 $0xFFFFC000  }
0xbc: {  	[tilespmem:s3], [sflag:$0x2] =	stream.indirect.gather [hbm4b:s4+s6], $0x80, s26, s6, $0xb8;
	[tilespmem:$0x10D00] =	vst v63  }
0xbd: {  	_ =	swait.ge [sflag:s7], $0x4000  }
0xbe: {  	[sflag:s7] =	ssyncset.done $0x0  }
0xbf: {  	s1 =	rddreg [dreg:$0x14];
	[sflag:s7] =	ssyncadd.s32 $0xFFFFC000  }
0xc0: {  	[hbm4b:s1+s2] =	stream.linear.scatter [tilespmem:s5], [sflag:$0x5], $0x4000, $0x38;
	[tilespmem:$0x10D00] =	vst v63  }
0xc1: {  	_ =	swait.ge [sflag:s11], $0x4000  }
0xc2: {  	[sflag:s11] =	ssyncset.done $0x0  }
0xc3: {  	[sflag:s11] =	ssyncadd.s32 $0xFFFFC000  }
0xc4: {  	[tilespmem:s14], [sflag:$0x3] =	stream.indirect.gather [hbm4b:s4+s6], $0x80, s25, s6, $0xb8;
	[tilespmem:$0x10D00] =	vst v63  }
0xc5: {  	_ =	swait.ge [sflag:s9], $0x4000  }
0xc6: {  	[sflag:s9] =	ssyncset.done $0x0  }
0xc7: {  	s1 =	rddreg [dreg:$0x15];
	[sflag:s9] =	ssyncadd.s32 $0xFFFFC000  }
0xc8: {  	[hbm4b:s1+s2] =	stream.linear.scatter [tilespmem:s3], [sflag:$0x6], $0x4000, $0x38;
	[tilespmem:$0x10D00] =	vst v63  }
0xc9: {  	_ =	swait.ge [sflag:s12], $0x4000  }
0xca: {  	[sflag:s12] =	ssyncset.done $0x0  }
0xcb: {  	[sflag:s12] =	ssyncadd.s32 $0xFFFFC000  }
0xcc: {  	[tilespmem:s13], [sflag:$0x4] =	stream.indirect.gather [hbm4b:s4+s6], $0x80, s24, s6, $0xb8;
	[tilespmem:$0x10D00] =	vst v63  }
0xcd: {  	_ =	swait.ge [sflag:s16], $0x4000  }
0xce: {  	[sflag:s16] =	ssyncset.done $0x0  }
0xcf: {  	s1 =	rddreg [dreg:$0x16];
	[sflag:s16] =	ssyncadd.s32 $0xFFFFC000  }
0xd0: {  	[hbm4b:s1+s2] =	stream.linear.scatter [tilespmem:s14], [sflag:$0x7], $0x4000, $0x38;
	[tilespmem:$0x10D00] =	vst v63  }
0xd1: {  	_ =	swait.ge [sflag:s8], $0x4000  }
0xd2: {  	[sflag:s8] =	ssyncset.done $0x0  }
0xd3: {  	[sflag:s8] =	ssyncadd.s32 $0xFFFFC000  }
0xd4: {  	[tilespmem:s5], [sflag:$0x1] =	stream.indirect.gather [hbm4b:s4+s6], $0x80, s23, s6, $0xb8;
	[tilespmem:$0x10D00] =	vst v63  }
0xd5: {  	_ =	swait.ge [sflag:s15], $0x4000  }
0xd6: {  	[sflag:s15] =	ssyncset.done $0x0  }
0xd7: {  	s1 =	rddreg [dreg:$0x17];
	[sflag:s15] =	ssyncadd.s32 $0xFFFFC000  }
0xd8: {  	[hbm4b:s1+s2] =	stream.linear.scatter [tilespmem:s13], [sflag:$0x8], $0x4000, $0x38;
	[tilespmem:$0x10D00] =	vst v63  }
0xd9: {  	_ =	swait.ge [sflag:s10], $0x4000  }
0xda: {  	[sflag:s10] =	ssyncset.done $0x0  }
0xdb: {  	[sflag:s10] =	ssyncadd.s32 $0xFFFFC000  }
0xdc: {  	[tilespmem:s3], [sflag:$0x2] =	stream.indirect.gather [hbm4b:s4+s6], $0x80, s22, s6, $0xb8;
	[tilespmem:$0x10D00] =	vst v63  }
0xdd: {  	_ =	swait.ge [sflag:s7], $0x4000  }
0xde: {  	[sflag:s7] =	ssyncset.done $0x0  }
0xdf: {  	s1 =	rddreg [dreg:$0x18];
	[sflag:s7] =	ssyncadd.s32 $0xFFFFC000  }
0xe0: {  	[hbm4b:s1+s2] =	stream.linear.scatter [tilespmem:s5], [sflag:$0x5], $0x4000, $0x38;
	[tilespmem:$0x10D00] =	vst v63  }
0xe1: {  	_ =	swait.ge [sflag:s11], $0x4000  }
0xe2: {  	[sflag:s11] =	ssyncset.done $0x0  }
0xe3: {  	[sflag:s11] =	ssyncadd.s32 $0xFFFFC000  }
0xe4: {  	[tilespmem:s14], [sflag:$0x3] =	stream.indirect.gather [hbm4b:s4+s6], $0x80, s21, s6, $0xb8;
	[tilespmem:$0x10D00] =	vst v63  }
0xe5: {  	_ =	swait.ge [sflag:s9], $0x4000  }
0xe6: {  	[sflag:s9] =	ssyncset.done $0x0  }
0xe7: {  	s1 =	rddreg [dreg:$0x19];
	[sflag:s9] =	ssyncadd.s32 $0xFFFFC000  }
0xe8: {  	[hbm4b:s1+s2] =	stream.linear.scatter [tilespmem:s3], [sflag:$0x6], $0x4000, $0x38;
	[tilespmem:$0x10D00] =	vst v63  }
0xe9: {  	_ =	swait.ge [sflag:s12], $0x4000  }
0xea: {  	[sflag:s12] =	ssyncset.done $0x0  }
0xeb: {  	[sflag:s12] =	ssyncadd.s32 $0xFFFFC000  }
0xec: {  	[tilespmem:s13], [sflag:$0x4] =	stream.indirect.gather [hbm4b:s4+s6], $0x80, s20, s6, $0xb8;
	[tilespmem:$0x10D00] =	vst v63  }
0xed: {  	_ =	swait.ge [sflag:s16], $0x4000  }
0xee: {  	[sflag:s16] =	ssyncset.done $0x0  }
0xef: {  	s1 =	rddreg [dreg:$0x1a];
	[sflag:s16] =	ssyncadd.s32 $0xFFFFC000  }
0xf0: {  	[hbm4b:s1+s2] =	stream.linear.scatter [tilespmem:s14], [sflag:$0x7], $0x4000, $0x38;
	[tilespmem:$0x10D00] =	vst v63  }
0xf1: {  	_ =	swait.ge [sflag:s8], $0x4000  }
0xf2: {  	[sflag:s8] =	ssyncset.done $0x0  }
0xf3: {  	[sflag:s8] =	ssyncadd.s32 $0xFFFFC000  }
0xf4: {  	[tilespmem:s5], [sflag:$0x1] =	stream.indirect.gather [hbm4b:s4+s6], $0x80, s19, s6, $0xb8;
	[tilespmem:$0x10D00] =	vst v63  }
0xf5: {  	_ =	swait.ge [sflag:s15], $0x4000  }
0xf6: {  	[sflag:s15] =	ssyncset.done $0x0  }
0xf7: {  	s1 =	rddreg [dreg:$0x1b];
	[sflag:s15] =	ssyncadd.s32 $0xFFFFC000  }
0xf8: {  	[hbm4b:s1+s2] =	stream.linear.scatter [tilespmem:s13], [sflag:$0x8], $0x4000, $0x38;
	[tilespmem:$0x10D00] =	vst v63  }
0xf9: {  	_ =	swait.ge [sflag:s10], $0x4000  }
0xfa: {  	[sflag:s10] =	ssyncset.done $0x0  }
0xfb: {  	[sflag:s10] =	ssyncadd.s32 $0xFFFFC000  }
0xfc: {  	[tilespmem:s3], [sflag:$0x2] =	stream.indirect.gather [hbm4b:s4+s6], $0x80, s18, s6, $0xb8;
	[tilespmem:$0x10D00] =	vst v63  }
0xfd: {  	_ =	swait.ge [sflag:s7], $0x4000  }
0xfe: {  	[sflag:s7] =	ssyncset.done $0x0  }
0xff: {  	s1 =	rddreg [dreg:$0x1c];
	[sflag:s7] =	ssyncadd.s32 $0xFFFFC000  }
0x100: {  	[hbm4b:s1+s2] =	stream.linear.scatter [tilespmem:s5], [sflag:$0x5], $0x4000, $0x38;
	[tilespmem:$0x10D00] =	vst v63  }
0x101: {  	_ =	swait.ge [sflag:s9], $0x4000  }
0x102: {  	[sflag:s9] =	ssyncset.done $0x0  }
0x103: {  	s1 =	rddreg [dreg:$0x1d];
	[sflag:s9] =	ssyncadd.s32 $0xFFFFC000  }
0x104: {  	[hbm4b:s1+s2] =	stream.linear.scatter [tilespmem:s3], [sflag:$0x6], $0x4000, $0x38;
	[tilespmem:$0x10D00] =	vst v63  }
0x105: {  	_ =	swait.ge [sflag:s11], $0x4000  }
0x106: {  	[sflag:s11] =	ssyncset.done $0x0  }
0x107: {  	[sflag:s11] =	ssyncadd.s32 $0xFFFFC000  }
0x108: {  	_ =	swait.ge [sflag:s12], $0x4000  }
0x109: {  	[sflag:s12] =	ssyncset.done $0x0  }
0x10a: {  	p1 =	sne.s32 s17, $0x1;
	[sflag:s12] =	ssyncadd.s32 $0xFFFFC000  }
.Ltmp1:
0x10b: {  	_ =	swait.ge [sflag:s8], $0x4000;
	(pc) =	sbr.rel @!p1 .LBB2_3-.Ltmp1, $4  }
0x10c: {  	[sflag:s8] =	ssyncset.done $0x0  }
0x10d: {  	[sflag:s8] =	ssyncadd.s32 $0xFFFFC000  }
0x10e: {  	p0 =	por $0x1, $0x1;
	_ =	swait.ge [sflag:s10], $0x4000  }
0x10f: {  	s1 =	sadd.s32 $0xFFFFFFFF, s17;
	s0 =	rddreg [dreg:$0x3];
	[sflag:s10] =	ssyncset.done $0x0  }
.LBB2_4:
0x110: {  	[sflag:s10] =	ssyncadd.s32 $0xFFFFC000  }
0x111: {  	[tilespmem:s2], [sflag:$0x9] =	stream.linear.gather [hbm4b:s0+s2], $0xD00, $0x38;
	[tilespmem:$0x10D00] =	vst v63  }
0x112: {  	_ =	swait.ge [sflag:s31], $0xD00  }
0x113: {  	[sflag:s31] =	ssyncset.done $0x0  }
0x114: {  	[sflag:s31] =	ssyncadd.s32 $0xFFFFF300  }
0x115: {  	[tilespmem:s5], [sflag:$0x1] =	stream.indirect.gather [hbm4b:s4+s6], $0x80, s2, s6, $0xb8;
	[tilespmem:$0x10D00] =	vst v63  }
0x116: {  	_ = 	snop  }
0x117: {  	[tilespmem:s3], [sflag:$0x2] =	stream.indirect.gather [hbm4b:s4+s6], $0x80, s6, s6, $0xb8;
	[tilespmem:$0x10D00] =	vst v63  }
0x118: {  	_ =	swait.ge [sflag:s7], $0x4000  }
0x119: {  	[sflag:s7] =	ssyncset.done $0x0  }
0x11a: {  	s0 =	rddreg [dreg:$0x4];
	[sflag:s7] =	ssyncadd.s32 $0xFFFFC000  }
0x11b: {  	[hbm4b:s0+s2] =	stream.linear.scatter [tilespmem:s5], [sflag:$0x5], $0x4000, $0x38;
	[tilespmem:$0x10D00] =	vst v63  }
0x11c: {  	s17 =	rddreg [dreg:$0x1e]  }
0x11d: {  	[tilespmem:s14], [sflag:$0x3] =	stream.indirect.gather [hbm4b:s4+s6], $0x80, s17, s6, $0xb8;
	[tilespmem:$0x10D00] =	vst v63  }
0x11e: {  	_ =	swait.ge [sflag:s9], $0x4000  }
0x11f: {  	[sflag:s9] =	ssyncset.done $0x0  }
0x120: {  	s0 =	rddreg [dreg:$0x5];
	[sflag:s9] =	ssyncadd.s32 $0xFFFFC000  }
0x121: {  	[hbm4b:s0+s2] =	stream.linear.scatter [tilespmem:s3], [sflag:$0x6], $0x4000, $0x38;
	[tilespmem:$0x10D00] =	vst v63  }
0x122: {  	s17 =	rddreg [dreg:$0x1f]  }
0x123: {  	[tilespmem:s13], [sflag:$0x4] =	stream.indirect.gather [hbm4b:s4+s6], $0x80, s17, s6, $0xb8;
	[tilespmem:$0x10D00] =	vst v63  }
0x124: {  	_ =	swait.ge [sflag:s16], $0x4000  }
0x125: {  	[sflag:s16] =	ssyncset.done $0x0  }
0x126: {  	s17 =	rddreg [dreg:$0x6];
	[sflag:s16] =	ssyncadd.s32 $0xFFFFC000  }
0x127: {  	[hbm4b:s17+s2] =	stream.linear.scatter [tilespmem:s14], [sflag:$0x7], $0x4000, $0x38;
	[tilespmem:$0x10D00] =	vst v63  }
0x128: {  	_ =	swait.ge [sflag:s8], $0x4000  }
0x129: {  	s17 =	sld [smem:$0x7F5]  }
0x12a: {  	[sflag:s8] =	ssyncset.done $0x0  }
0x12b: {  	[sflag:s8] =	ssyncadd.s32 $0xFFFFC000  }
0x12c: {  	[tilespmem:s5], [sflag:$0x1] =	stream.indirect.gather [hbm4b:s4+s6], $0x80, s17, s6, $0xb8;
	[tilespmem:$0x10D00] =	vst v63  }
0x12d: {  	_ =	swait.ge [sflag:s15], $0x4000  }
0x12e: {  	[sflag:s15] =	ssyncset.done $0x0  }
0x12f: {  	s17 =	rddreg [dreg:$0x7];
	[sflag:s15] =	ssyncadd.s32 $0xFFFFC000  }
0x130: {  	[hbm4b:s17+s2] =	stream.linear.scatter [tilespmem:s13], [sflag:$0x8], $0x4000, $0x38;
	[tilespmem:$0x10D00] =	vst v63  }
0x131: {  	_ =	swait.ge [sflag:s10], $0x4000  }
0x132: {  	s17 =	sld [smem:$0x7F6]  }
0x133: {  	[sflag:s10] =	ssyncset.done $0x0  }
0x134: {  	[sflag:s10] =	ssyncadd.s32 $0xFFFFC000  }
0x135: {  	[tilespmem:s3], [sflag:$0x2] =	stream.indirect.gather [hbm4b:s4+s6], $0x80, s17, s6, $0xb8;
	[tilespmem:$0x10D00] =	vst v63  }
0x136: {  	_ =	swait.ge [sflag:s7], $0x4000  }
0x137: {  	[sflag:s7] =	ssyncset.done $0x0  }
0x138: {  	s17 =	rddreg [dreg:$0x8];
	[sflag:s7] =	ssyncadd.s32 $0xFFFFC000  }
0x139: {  	[hbm4b:s17+s2] =	stream.linear.scatter [tilespmem:s5], [sflag:$0x5], $0x4000, $0x38;
	[tilespmem:$0x10D00] =	vst v63  }
0x13a: {  	_ =	swait.ge [sflag:s11], $0x4000  }
0x13b: {  	s17 =	sld [smem:$0x7F7]  }
0x13c: {  	[sflag:s11] =	ssyncset.done $0x0  }
0x13d: {  	[sflag:s11] =	ssyncadd.s32 $0xFFFFC000  }
0x13e: {  	[tilespmem:s14], [sflag:$0x3] =	stream.indirect.gather [hbm4b:s4+s6], $0x80, s17, s6, $0xb8;
	[tilespmem:$0x10D00] =	vst v63  }
0x13f: {  	_ =	swait.ge [sflag:s9], $0x4000  }
0x140: {  	[sflag:s9] =	ssyncset.done $0x0  }
0x141: {  	s17 =	rddreg [dreg:$0x9];
	[sflag:s9] =	ssyncadd.s32 $0xFFFFC000  }
0x142: {  	[hbm4b:s17+s2] =	stream.linear.scatter [tilespmem:s3], [sflag:$0x6], $0x4000, $0x38;
	[tilespmem:$0x10D00] =	vst v63  }
0x143: {  	_ =	swait.ge [sflag:s12], $0x4000  }
0x144: {  	s17 =	sld [smem:$0x7F8]  }
0x145: {  	[sflag:s12] =	ssyncset.done $0x0  }
0x146: {  	[sflag:s12] =	ssyncadd.s32 $0xFFFFC000  }
0x147: {  	[tilespmem:s13], [sflag:$0x4] =	stream.indirect.gather [hbm4b:s4+s6], $0x80, s17, s6, $0xb8;
	[tilespmem:$0x10D00] =	vst v63  }
0x148: {  	_ =	swait.ge [sflag:s16], $0x4000  }
0x149: {  	[sflag:s16] =	ssyncset.done $0x0  }
0x14a: {  	s17 =	rddreg [dreg:$0xa];
	[sflag:s16] =	ssyncadd.s32 $0xFFFFC000  }
0x14b: {  	[hbm4b:s17+s2] =	stream.linear.scatter [tilespmem:s14], [sflag:$0x7], $0x4000, $0x38;
	[tilespmem:$0x10D00] =	vst v63  }
0x14c: {  	_ =	swait.ge [sflag:s8], $0x4000  }
0x14d: {  	s17 =	sld [smem:$0x7F9]  }
0x14e: {  	[sflag:s8] =	ssyncset.done $0x0  }
0x14f: {  	[sflag:s8] =	ssyncadd.s32 $0xFFFFC000  }
0x150: {  	[tilespmem:s5], [sflag:$0x1] =	stream.indirect.gather [hbm4b:s4+s6], $0x80, s17, s6, $0xb8;
	[tilespmem:$0x10D00] =	vst v63  }
0x151: {  	_ =	swait.ge [sflag:s15], $0x4000  }
0x152: {  	[sflag:s15] =	ssyncset.done $0x0  }
0x153: {  	s17 =	rddreg [dreg:$0xb];
	[sflag:s15] =	ssyncadd.s32 $0xFFFFC000  }
0x154: {  	[hbm4b:s17+s2] =	stream.linear.scatter [tilespmem:s13], [sflag:$0x8], $0x4000, $0x38;
	[tilespmem:$0x10D00] =	vst v63  }
0x155: {  	_ =	swait.ge [sflag:s10], $0x4000  }
0x156: {  	s17 =	sld [smem:$0x7FA]  }
0x157: {  	[sflag:s10] =	ssyncset.done $0x0  }
0x158: {  	[sflag:s10] =	ssyncadd.s32 $0xFFFFC000  }
0x159: {  	[tilespmem:s3], [sflag:$0x2] =	stream.indirect.gather [hbm4b:s4+s6], $0x80, s17, s6, $0xb8;
	[tilespmem:$0x10D00] =	vst v63  }
0x15a: {  	_ =	swait.ge [sflag:s7], $0x4000  }
0x15b: {  	[sflag:s7] =	ssyncset.done $0x0  }
0x15c: {  	s17 =	rddreg [dreg:$0xc];
	[sflag:s7] =	ssyncadd.s32 $0xFFFFC000  }
0x15d: {  	[hbm4b:s17+s2] =	stream.linear.scatter [tilespmem:s5], [sflag:$0x5], $0x4000, $0x38;
	[tilespmem:$0x10D00] =	vst v63  }
0x15e: {  	_ =	swait.ge [sflag:s11], $0x4000  }
0x15f: {  	s17 =	sld [smem:$0x7FB]  }
0x160: {  	[sflag:s11] =	ssyncset.done $0x0  }
0x161: {  	[sflag:s11] =	ssyncadd.s32 $0xFFFFC000  }
0x162: {  	[tilespmem:s14], [sflag:$0x3] =	stream.indirect.gather [hbm4b:s4+s6], $0x80, s17, s6, $0xb8;
	[tilespmem:$0x10D00] =	vst v63  }
0x163: {  	_ =	swait.ge [sflag:s9], $0x4000  }
0x164: {  	[sflag:s9] =	ssyncset.done $0x0  }
0x165: {  	s17 =	rddreg [dreg:$0xd];
	[sflag:s9] =	ssyncadd.s32 $0xFFFFC000  }
0x166: {  	[hbm4b:s17+s2] =	stream.linear.scatter [tilespmem:s3], [sflag:$0x6], $0x4000, $0x38;
	[tilespmem:$0x10D00] =	vst v63  }
0x167: {  	_ =	swait.ge [sflag:s12], $0x4000  }
0x168: {  	s17 =	sld [smem:$0x7FC]  }
0x169: {  	[sflag:s12] =	ssyncset.done $0x0  }
0x16a: {  	[sflag:s12] =	ssyncadd.s32 $0xFFFFC000  }
0x16b: {  	[tilespmem:s13], [sflag:$0x4] =	stream.indirect.gather [hbm4b:s4+s6], $0x80, s17, s6, $0xb8;
	[tilespmem:$0x10D00] =	vst v63  }
0x16c: {  	_ =	swait.ge [sflag:s16], $0x4000  }
0x16d: {  	[sflag:s16] =	ssyncset.done $0x0  }
0x16e: {  	s17 =	rddreg [dreg:$0xe];
	[sflag:s16] =	ssyncadd.s32 $0xFFFFC000  }
0x16f: {  	[hbm4b:s17+s2] =	stream.linear.scatter [tilespmem:s14], [sflag:$0x7], $0x4000, $0x38;
	[tilespmem:$0x10D00] =	vst v63  }
0x170: {  	_ =	swait.ge [sflag:s8], $0x4000  }
0x171: {  	s17 =	sld [smem:$0x7FD]  }
0x172: {  	[sflag:s8] =	ssyncset.done $0x0  }
0x173: {  	[sflag:s8] =	ssyncadd.s32 $0xFFFFC000  }
0x174: {  	[tilespmem:s5], [sflag:$0x1] =	stream.indirect.gather [hbm4b:s4+s6], $0x80, s17, s6, $0xb8;
	[tilespmem:$0x10D00] =	vst v63  }
0x175: {  	_ =	swait.ge [sflag:s15], $0x4000  }
0x176: {  	[sflag:s15] =	ssyncset.done $0x0  }
0x177: {  	s17 =	rddreg [dreg:$0xf];
	[sflag:s15] =	ssyncadd.s32 $0xFFFFC000  }
0x178: {  	[hbm4b:s17+s2] =	stream.linear.scatter [tilespmem:s13], [sflag:$0x8], $0x4000, $0x38;
	[tilespmem:$0x10D00] =	vst v63  }
0x179: {  	_ =	swait.ge [sflag:s10], $0x4000  }
0x17a: {  	[sflag:s10] =	ssyncset.done $0x0  }
0x17b: {  	s17 =	simm.s32 $0x680;
	[sflag:s10] =	ssyncadd.s32 $0xFFFFC000  }
0x17c: {  	[tilespmem:s3], [sflag:$0x2] =	stream.indirect.gather [hbm4b:s4+s6], $0x80, s17, s6, $0xb8;
	[tilespmem:$0x10D00] =	vst v63  }
0x17d: {  	_ =	swait.ge [sflag:s7], $0x4000  }
0x17e: {  	[sflag:s7] =	ssyncset.done $0x0  }
0x17f: {  	s17 =	rddreg [dreg:$0x10];
	[sflag:s7] =	ssyncadd.s32 $0xFFFFC000  }
0x180: {  	[hbm4b:s17+s2] =	stream.linear.scatter [tilespmem:s5], [sflag:$0x5], $0x4000, $0x38;
	[tilespmem:$0x10D00] =	vst v63  }
0x181: {  	_ =	swait.ge [sflag:s11], $0x4000  }
0x182: {  	[sflag:s11] =	ssyncset.done $0x0  }
0x183: {  	[sflag:s11] =	ssyncadd.s32 $0xFFFFC000  }
0x184: {  	[tilespmem:s14], [sflag:$0x3] =	stream.indirect.gather [hbm4b:s4+s6], $0x80, s30, s6, $0xb8;
	[tilespmem:$0x10D00] =	vst v63  }
0x185: {  	_ =	swait.ge [sflag:s9], $0x4000  }
0x186: {  	[sflag:s9] =	ssyncset.done $0x0  }
0x187: {  	s17 =	rddreg [dreg:$0x11];
	[sflag:s9] =	ssyncadd.s32 $0xFFFFC000  }
0x188: {  	[hbm4b:s17+s2] =	stream.linear.scatter [tilespmem:s3], [sflag:$0x6], $0x4000, $0x38;
	[tilespmem:$0x10D00] =	vst v63  }
0x189: {  	_ =	swait.ge [sflag:s12], $0x4000  }
0x18a: {  	[sflag:s12] =	ssyncset.done $0x0  }
0x18b: {  	[sflag:s12] =	ssyncadd.s32 $0xFFFFC000  }
0x18c: {  	[tilespmem:s13], [sflag:$0x4] =	stream.indirect.gather [hbm4b:s4+s6], $0x80, s29, s6, $0xb8;
	[tilespmem:$0x10D00] =	vst v63  }
0x18d: {  	_ =	swait.ge [sflag:s16], $0x4000  }
0x18e: {  	[sflag:s16] =	ssyncset.done $0x0  }
0x18f: {  	s17 =	rddreg [dreg:$0x12];
	[sflag:s16] =	ssyncadd.s32 $0xFFFFC000  }
0x190: {  	[hbm4b:s17+s2] =	stream.linear.scatter [tilespmem:s14], [sflag:$0x7], $0x4000, $0x38;
	[tilespmem:$0x10D00] =	vst v63  }
0x191: {  	_ =	swait.ge [sflag:s8], $0x4000  }
0x192: {  	[sflag:s8] =	ssyncset.done $0x0  }
0x193: {  	[sflag:s8] =	ssyncadd.s32 $0xFFFFC000  }
0x194: {  	[tilespmem:s5], [sflag:$0x1] =	stream.indirect.gather [hbm4b:s4+s6], $0x80, s28, s6, $0xb8;
	[tilespmem:$0x10D00] =	vst v63  }
0x195: {  	_ =	swait.ge [sflag:s15], $0x4000  }
0x196: {  	[sflag:s15] =	ssyncset.done $0x0  }
0x197: {  	s17 =	rddreg [dreg:$0x13];
	[sflag:s15] =	ssyncadd.s32 $0xFFFFC000  }
0x198: {  	[hbm4b:s17+s2] =	stream.linear.scatter [tilespmem:s13], [sflag:$0x8], $0x4000, $0x38;
	[tilespmem:$0x10D00] =	vst v63  }
0x199: {  	_ =	swait.ge [sflag:s10], $0x4000  }
0x19a: {  	[sflag:s10] =	ssyncset.done $0x0  }
0x19b: {  	[sflag:s10] =	ssyncadd.s32 $0xFFFFC000  }
0x19c: {  	[tilespmem:s3], [sflag:$0x2] =	stream.indirect.gather [hbm4b:s4+s6], $0x80, s26, s6, $0xb8;
	[tilespmem:$0x10D00] =	vst v63  }
0x19d: {  	_ =	swait.ge [sflag:s7], $0x4000  }
0x19e: {  	[sflag:s7] =	ssyncset.done $0x0  }
0x19f: {  	s17 =	rddreg [dreg:$0x14];
	[sflag:s7] =	ssyncadd.s32 $0xFFFFC000  }
0x1a0: {  	[hbm4b:s17+s2] =	stream.linear.scatter [tilespmem:s5], [sflag:$0x5], $0x4000, $0x38;
	[tilespmem:$0x10D00] =	vst v63  }
0x1a1: {  	_ =	swait.ge [sflag:s11], $0x4000  }
0x1a2: {  	[sflag:s11] =	ssyncset.done $0x0  }
0x1a3: {  	[sflag:s11] =	ssyncadd.s32 $0xFFFFC000  }
0x1a4: {  	[tilespmem:s14], [sflag:$0x3] =	stream.indirect.gather [hbm4b:s4+s6], $0x80, s25, s6, $0xb8;
	[tilespmem:$0x10D00] =	vst v63  }
0x1a5: {  	_ =	swait.ge [sflag:s9], $0x4000  }
0x1a6: {  	[sflag:s9] =	ssyncset.done $0x0  }
0x1a7: {  	s17 =	rddreg [dreg:$0x15];
	[sflag:s9] =	ssyncadd.s32 $0xFFFFC000  }
0x1a8: {  	[hbm4b:s17+s2] =	stream.linear.scatter [tilespmem:s3], [sflag:$0x6], $0x4000, $0x38;
	[tilespmem:$0x10D00] =	vst v63  }
0x1a9: {  	_ =	swait.ge [sflag:s12], $0x4000  }
0x1aa: {  	[sflag:s12] =	ssyncset.done $0x0  }
0x1ab: {  	[sflag:s12] =	ssyncadd.s32 $0xFFFFC000  }
0x1ac: {  	[tilespmem:s13], [sflag:$0x4] =	stream.indirect.gather [hbm4b:s4+s6], $0x80, s24, s6, $0xb8;
	[tilespmem:$0x10D00] =	vst v63  }
0x1ad: {  	_ =	swait.ge [sflag:s16], $0x4000  }
0x1ae: {  	[sflag:s16] =	ssyncset.done $0x0  }
0x1af: {  	s17 =	rddreg [dreg:$0x16];
	[sflag:s16] =	ssyncadd.s32 $0xFFFFC000  }
0x1b0: {  	[hbm4b:s17+s2] =	stream.linear.scatter [tilespmem:s14], [sflag:$0x7], $0x4000, $0x38;
	[tilespmem:$0x10D00] =	vst v63  }
0x1b1: {  	_ =	swait.ge [sflag:s8], $0x4000  }
0x1b2: {  	[sflag:s8] =	ssyncset.done $0x0  }
0x1b3: {  	[sflag:s8] =	ssyncadd.s32 $0xFFFFC000  }
0x1b4: {  	[tilespmem:s5], [sflag:$0x1] =	stream.indirect.gather [hbm4b:s4+s6], $0x80, s23, s6, $0xb8;
	[tilespmem:$0x10D00] =	vst v63  }
0x1b5: {  	_ =	swait.ge [sflag:s15], $0x4000  }
0x1b6: {  	[sflag:s15] =	ssyncset.done $0x0  }
0x1b7: {  	s17 =	rddreg [dreg:$0x17];
	[sflag:s15] =	ssyncadd.s32 $0xFFFFC000  }
0x1b8: {  	[hbm4b:s17+s2] =	stream.linear.scatter [tilespmem:s13], [sflag:$0x8], $0x4000, $0x38;
	[tilespmem:$0x10D00] =	vst v63  }
0x1b9: {  	_ =	swait.ge [sflag:s10], $0x4000  }
0x1ba: {  	[sflag:s10] =	ssyncset.done $0x0  }
0x1bb: {  	[sflag:s10] =	ssyncadd.s32 $0xFFFFC000  }
0x1bc: {  	[tilespmem:s3], [sflag:$0x2] =	stream.indirect.gather [hbm4b:s4+s6], $0x80, s22, s6, $0xb8;
	[tilespmem:$0x10D00] =	vst v63  }
0x1bd: {  	_ =	swait.ge [sflag:s7], $0x4000  }
0x1be: {  	[sflag:s7] =	ssyncset.done $0x0  }
0x1bf: {  	s17 =	rddreg [dreg:$0x18];
	[sflag:s7] =	ssyncadd.s32 $0xFFFFC000  }
0x1c0: {  	[hbm4b:s17+s2] =	stream.linear.scatter [tilespmem:s5], [sflag:$0x5], $0x4000, $0x38;
	[tilespmem:$0x10D00] =	vst v63  }
0x1c1: {  	_ =	swait.ge [sflag:s11], $0x4000  }
0x1c2: {  	[sflag:s11] =	ssyncset.done $0x0  }
0x1c3: {  	[sflag:s11] =	ssyncadd.s32 $0xFFFFC000  }
0x1c4: {  	[tilespmem:s14], [sflag:$0x3] =	stream.indirect.gather [hbm4b:s4+s6], $0x80, s21, s6, $0xb8;
	[tilespmem:$0x10D00] =	vst v63  }
0x1c5: {  	_ =	swait.ge [sflag:s9], $0x4000  }
0x1c6: {  	[sflag:s9] =	ssyncset.done $0x0  }
0x1c7: {  	s17 =	rddreg [dreg:$0x19];
	[sflag:s9] =	ssyncadd.s32 $0xFFFFC000  }
0x1c8: {  	[hbm4b:s17+s2] =	stream.linear.scatter [tilespmem:s3], [sflag:$0x6], $0x4000, $0x38;
	[tilespmem:$0x10D00] =	vst v63  }
0x1c9: {  	_ =	swait.ge [sflag:s12], $0x4000  }
0x1ca: {  	[sflag:s12] =	ssyncset.done $0x0  }
0x1cb: {  	[sflag:s12] =	ssyncadd.s32 $0xFFFFC000  }
0x1cc: {  	[tilespmem:s13], [sflag:$0x4] =	stream.indirect.gather [hbm4b:s4+s6], $0x80, s20, s6, $0xb8;
	[tilespmem:$0x10D00] =	vst v63  }
0x1cd: {  	_ =	swait.ge [sflag:s16], $0x4000  }
0x1ce: {  	[sflag:s16] =	ssyncset.done $0x0  }
0x1cf: {  	s17 =	rddreg [dreg:$0x1a];
	[sflag:s16] =	ssyncadd.s32 $0xFFFFC000  }
0x1d0: {  	[hbm4b:s17+s2] =	stream.linear.scatter [tilespmem:s14], [sflag:$0x7], $0x4000, $0x38;
	[tilespmem:$0x10D00] =	vst v63  }
0x1d1: {  	_ =	swait.ge [sflag:s8], $0x4000  }
0x1d2: {  	[sflag:s8] =	ssyncset.done $0x0  }
0x1d3: {  	[sflag:s8] =	ssyncadd.s32 $0xFFFFC000  }
0x1d4: {  	[tilespmem:s5], [sflag:$0x1] =	stream.indirect.gather [hbm4b:s4+s6], $0x80, s19, s6, $0xb8;
	[tilespmem:$0x10D00] =	vst v63  }
0x1d5: {  	_ =	swait.ge [sflag:s15], $0x4000  }
0x1d6: {  	[sflag:s15] =	ssyncset.done $0x0  }
0x1d7: {  	s17 =	rddreg [dreg:$0x1b];
	[sflag:s15] =	ssyncadd.s32 $0xFFFFC000  }
0x1d8: {  	[hbm4b:s17+s2] =	stream.linear.scatter [tilespmem:s13], [sflag:$0x8], $0x4000, $0x38;
	[tilespmem:$0x10D00] =	vst v63  }
0x1d9: {  	_ =	swait.ge [sflag:s10], $0x4000  }
0x1da: {  	[sflag:s10] =	ssyncset.done $0x0  }
0x1db: {  	[sflag:s10] =	ssyncadd.s32 $0xFFFFC000  }
0x1dc: {  	[tilespmem:s3], [sflag:$0x2] =	stream.indirect.gather [hbm4b:s4+s6], $0x80, s18, s6, $0xb8;
	[tilespmem:$0x10D00] =	vst v63  }
0x1dd: {  	_ =	swait.ge [sflag:s7], $0x4000  }
0x1de: {  	[sflag:s7] =	ssyncset.done $0x0  }
0x1df: {  	s17 =	rddreg [dreg:$0x1c];
	[sflag:s7] =	ssyncadd.s32 $0xFFFFC000  }
0x1e0: {  	[hbm4b:s17+s2] =	stream.linear.scatter [tilespmem:s5], [sflag:$0x5], $0x4000, $0x38;
	[tilespmem:$0x10D00] =	vst v63  }
0x1e1: {  	_ =	swait.ge [sflag:s9], $0x4000  }
0x1e2: {  	[sflag:s9] =	ssyncset.done $0x0  }
0x1e3: {  	s17 =	rddreg [dreg:$0x1d];
	[sflag:s9] =	ssyncadd.s32 $0xFFFFC000  }
0x1e4: {  	[hbm4b:s17+s2] =	stream.linear.scatter [tilespmem:s3], [sflag:$0x6], $0x4000, $0x38;
	[tilespmem:$0x10D00] =	vst v63  }
0x1e5: {  	_ =	swait.ge [sflag:s11], $0x4000  }
0x1e6: {  	[sflag:s11] =	ssyncset.done $0x0  }
0x1e7: {  	[sflag:s11] =	ssyncadd.s32 $0xFFFFC000  }
0x1e8: {  	_ =	swait.ge [sflag:s12], $0x4000  }
0x1e9: {  	[sflag:s12] =	ssyncset.done $0x0  }
0x1ea: {  	p1 =	sne.s32 s1, $0x1;
	[sflag:s12] =	ssyncadd.s32 $0xFFFFC000  }
.Ltmp2:
0x1eb: {  	_ =	swait.ge [sflag:s8], $0x4000;
	(pc) =	sbr.rel @p1 .LBB2_4-.Ltmp2, $4  }
0x1ec: {  	[sflag:s8] =	ssyncset.done $0x0  }
0x1ed: {  	[sflag:s8] =	ssyncadd.s32 $0xFFFFC000  }
0x1ee: {  	_ =	swait.ge [sflag:s10], $0x4000  }
0x1ef: {  	s1 =	sadd.s32 $0xFFFFFFFF, s1;
	s0 =	rddreg [dreg:$0x3];
	[sflag:s10] =	ssyncset.done $0x0  }
0x1f0: {  	s18 =	simm.s32 $0x680  }
0x1f1: {  	s30 =	simm.s32 $0x700;
	s29 =	simm.s32 $0x780;
	s28 =	simm.s32 $0x800  }
0x1f2: {  	s26 =	simm.s32 $0x880;
	s25 =	simm.s32 $0x900;
	s24 =	simm.s32 $0x980  }
0x1f3: {  	s23 =	simm.s32 $0xA00;
	s22 =	simm.s32 $0xA80;
	s21 =	simm.s32 $0xB00  }
0x1f4: {  	s20 =	simm.s32 $0xB80;
	s19 =	simm.s32 $0xC00;
	s17 =	stileid.u32  }
.LBB2_6:
0x1f5: {  	[sflag:s10] =	ssyncadd.s32 @p0 $0xFFFFC000  }
0x1f6: {  	[tilespmem:s2], [sflag:$0x9] =	stream.linear.gather [hbm4b:s0+s2], $0xD00, $0x38;
	[tilespmem:$0x10D00] =	vst v63  }
0x1f7: {  	_ =	swait.ge [sflag:s31], $0xD00  }
0x1f8: {  	[sflag:s31] =	ssyncset.done $0x0  }
0x1f9: {  	[sflag:s31] =	ssyncadd.s32 $0xFFFFF300  }
0x1fa: {  	[tilespmem:s5], [sflag:$0x1] =	stream.indirect.gather [hbm4b:s4+s6], $0x80, s2, s6, $0xb8;
	[tilespmem:$0x10D00] =	vst v63  }
0x1fb: {  	_ = 	snop  }
0x1fc: {  	[tilespmem:s3], [sflag:$0x2] =	stream.indirect.gather [hbm4b:s4+s6], $0x80, s6, s6, $0xb8;
	[tilespmem:$0x10D00] =	vst v63  }
0x1fd: {  	_ =	swait.ge [sflag:s7], $0x4000  }
0x1fe: {  	[sflag:s7] =	ssyncset.done $0x0  }
0x1ff: {  	s31 =	rddreg [dreg:$0x4];
	[sflag:s7] =	ssyncadd.s32 $0xFFFFC000  }
0x200: {  	[hbm4b:s31+s2] =	stream.linear.scatter [tilespmem:s5], [sflag:$0x5], $0x4000, $0x38;
	[tilespmem:$0x10D00] =	vst v63  }
0x201: {  	s1 =	rddreg [dreg:$0x1e]  }
0x202: {  	[tilespmem:s14], [sflag:$0x3] =	stream.indirect.gather [hbm4b:s4+s6], $0x80, s1, s6, $0xb8;
	[tilespmem:$0x10D00] =	vst v63  }
0x203: {  	_ =	swait.ge [sflag:s9], $0x4000  }
0x204: {  	[sflag:s9] =	ssyncset.done $0x0  }
0x205: {  	s1 =	rddreg [dreg:$0x5];
	[sflag:s9] =	ssyncadd.s32 $0xFFFFC000  }
0x206: {  	[hbm4b:s1+s2] =	stream.linear.scatter [tilespmem:s3], [sflag:$0x6], $0x4000, $0x38;
	[tilespmem:$0x10D00] =	vst v63  }
0x207: {  	s31 =	rddreg [dreg:$0x1f]  }
0x208: {  	[tilespmem:s13], [sflag:$0x4] =	stream.indirect.gather [hbm4b:s4+s6], $0x80, s31, s6, $0xb8;
	[tilespmem:$0x10D00] =	vst v63  }
0x209: {  	_ =	swait.ge [sflag:s16], $0x4000  }
0x20a: {  	[sflag:s16] =	ssyncset.done $0x0  }
0x20b: {  	s31 =	rddreg [dreg:$0x6];
	[sflag:s16] =	ssyncadd.s32 $0xFFFFC000  }
0x20c: {  	[hbm4b:s31+s2] =	stream.linear.scatter [tilespmem:s14], [sflag:$0x7], $0x4000, $0x38;
	[tilespmem:$0x10D00] =	vst v63  }
0x20d: {  	_ =	swait.ge [sflag:s8], $0x4000  }
0x20e: {  	s1 =	sld [smem:$0x7F5]  }
0x20f: {  	[sflag:s8] =	ssyncset.done $0x0  }
0x210: {  	[sflag:s8] =	ssyncadd.s32 $0xFFFFC000  }
0x211: {  	[tilespmem:s5], [sflag:$0x1] =	stream.indirect.gather [hbm4b:s4+s6], $0x80, s1, s6, $0xb8;
	[tilespmem:$0x10D00] =	vst v63  }
0x212: {  	_ =	swait.ge [sflag:s15], $0x4000  }
0x213: {  	[sflag:s15] =	ssyncset.done $0x0  }
0x214: {  	s31 =	rddreg [dreg:$0x7];
	[sflag:s15] =	ssyncadd.s32 $0xFFFFC000  }
0x215: {  	[hbm4b:s31+s2] =	stream.linear.scatter [tilespmem:s13], [sflag:$0x8], $0x4000, $0x38;
	[tilespmem:$0x10D00] =	vst v63  }
0x216: {  	_ =	swait.ge [sflag:s10], $0x4000  }
0x217: {  	s1 =	sld [smem:$0x7F6]  }
0x218: {  	[sflag:s10] =	ssyncset.done $0x0  }
0x219: {  	[sflag:s10] =	ssyncadd.s32 $0xFFFFC000  }
0x21a: {  	[tilespmem:s3], [sflag:$0x2] =	stream.indirect.gather [hbm4b:s4+s6], $0x80, s1, s6, $0xb8;
	[tilespmem:$0x10D00] =	vst v63  }
0x21b: {  	_ =	swait.ge [sflag:s7], $0x4000  }
0x21c: {  	[sflag:s7] =	ssyncset.done $0x0  }
0x21d: {  	s31 =	rddreg [dreg:$0x8];
	[sflag:s7] =	ssyncadd.s32 $0xFFFFC000  }
0x21e: {  	[hbm4b:s31+s2] =	stream.linear.scatter [tilespmem:s5], [sflag:$0x5], $0x4000, $0x38;
	[tilespmem:$0x10D00] =	vst v63  }
0x21f: {  	_ =	swait.ge [sflag:s11], $0x4000  }
0x220: {  	s1 =	sld [smem:$0x7F7]  }
0x221: {  	[sflag:s11] =	ssyncset.done $0x0  }
0x222: {  	[sflag:s11] =	ssyncadd.s32 $0xFFFFC000  }
0x223: {  	[tilespmem:s14], [sflag:$0x3] =	stream.indirect.gather [hbm4b:s4+s6], $0x80, s1, s6, $0xb8;
	[tilespmem:$0x10D00] =	vst v63  }
0x224: {  	_ =	swait.ge [sflag:s9], $0x4000  }
0x225: {  	[sflag:s9] =	ssyncset.done $0x0  }
0x226: {  	s31 =	rddreg [dreg:$0x9];
	[sflag:s9] =	ssyncadd.s32 $0xFFFFC000  }
0x227: {  	[hbm4b:s31+s2] =	stream.linear.scatter [tilespmem:s3], [sflag:$0x6], $0x4000, $0x38;
	[tilespmem:$0x10D00] =	vst v63  }
0x228: {  	_ =	swait.ge [sflag:s12], $0x4000  }
0x229: {  	s1 =	sld [smem:$0x7F8]  }
0x22a: {  	[sflag:s12] =	ssyncset.done $0x0  }
0x22b: {  	[sflag:s12] =	ssyncadd.s32 $0xFFFFC000  }
0x22c: {  	[tilespmem:s13], [sflag:$0x4] =	stream.indirect.gather [hbm4b:s4+s6], $0x80, s1, s6, $0xb8;
	[tilespmem:$0x10D00] =	vst v63  }
0x22d: {  	_ =	swait.ge [sflag:s16], $0x4000  }
0x22e: {  	[sflag:s16] =	ssyncset.done $0x0  }
0x22f: {  	s31 =	rddreg [dreg:$0xa];
	[sflag:s16] =	ssyncadd.s32 $0xFFFFC000  }
0x230: {  	[hbm4b:s31+s2] =	stream.linear.scatter [tilespmem:s14], [sflag:$0x7], $0x4000, $0x38;
	[tilespmem:$0x10D00] =	vst v63  }
0x231: {  	_ =	swait.ge [sflag:s8], $0x4000  }
0x232: {  	s1 =	sld [smem:$0x7F9]  }
0x233: {  	[sflag:s8] =	ssyncset.done $0x0  }
0x234: {  	[sflag:s8] =	ssyncadd.s32 $0xFFFFC000  }
0x235: {  	[tilespmem:s5], [sflag:$0x1] =	stream.indirect.gather [hbm4b:s4+s6], $0x80, s1, s6, $0xb8;
	[tilespmem:$0x10D00] =	vst v63  }
0x236: {  	_ =	swait.ge [sflag:s15], $0x4000  }
0x237: {  	[sflag:s15] =	ssyncset.done $0x0  }
0x238: {  	s31 =	rddreg [dreg:$0xb];
	[sflag:s15] =	ssyncadd.s32 $0xFFFFC000  }
0x239: {  	[hbm4b:s31+s2] =	stream.linear.scatter [tilespmem:s13], [sflag:$0x8], $0x4000, $0x38;
	[tilespmem:$0x10D00] =	vst v63  }
0x23a: {  	_ =	swait.ge [sflag:s10], $0x4000  }
0x23b: {  	s1 =	sld [smem:$0x7FA]  }
0x23c: {  	[sflag:s10] =	ssyncset.done $0x0  }
0x23d: {  	[sflag:s10] =	ssyncadd.s32 $0xFFFFC000  }
0x23e: {  	[tilespmem:s3], [sflag:$0x2] =	stream.indirect.gather [hbm4b:s4+s6], $0x80, s1, s6, $0xb8;
	[tilespmem:$0x10D00] =	vst v63  }
0x23f: {  	_ =	swait.ge [sflag:s7], $0x4000  }
0x240: {  	[sflag:s7] =	ssyncset.done $0x0  }
0x241: {  	s31 =	rddreg [dreg:$0xc];
	[sflag:s7] =	ssyncadd.s32 $0xFFFFC000  }
0x242: {  	[hbm4b:s31+s2] =	stream.linear.scatter [tilespmem:s5], [sflag:$0x5], $0x4000, $0x38;
	[tilespmem:$0x10D00] =	vst v63  }
0x243: {  	_ =	swait.ge [sflag:s11], $0x4000  }
0x244: {  	s1 =	sld [smem:$0x7FB]  }
0x245: {  	[sflag:s11] =	ssyncset.done $0x0  }
0x246: {  	[sflag:s11] =	ssyncadd.s32 $0xFFFFC000  }
0x247: {  	[tilespmem:s14], [sflag:$0x3] =	stream.indirect.gather [hbm4b:s4+s6], $0x80, s1, s6, $0xb8;
	[tilespmem:$0x10D00] =	vst v63  }
0x248: {  	_ =	swait.ge [sflag:s9], $0x4000  }
0x249: {  	[sflag:s9] =	ssyncset.done $0x0  }
0x24a: {  	s31 =	rddreg [dreg:$0xd];
	[sflag:s9] =	ssyncadd.s32 $0xFFFFC000  }
0x24b: {  	[hbm4b:s31+s2] =	stream.linear.scatter [tilespmem:s3], [sflag:$0x6], $0x4000, $0x38;
	[tilespmem:$0x10D00] =	vst v63  }
0x24c: {  	_ =	swait.ge [sflag:s12], $0x4000  }
0x24d: {  	s1 =	sld [smem:$0x7FC]  }
0x24e: {  	[sflag:s12] =	ssyncset.done $0x0  }
0x24f: {  	[sflag:s12] =	ssyncadd.s32 $0xFFFFC000  }
0x250: {  	[tilespmem:s13], [sflag:$0x4] =	stream.indirect.gather [hbm4b:s4+s6], $0x80, s1, s6, $0xb8;
	[tilespmem:$0x10D00] =	vst v63  }
0x251: {  	_ =	swait.ge [sflag:s16], $0x4000  }
0x252: {  	[sflag:s16] =	ssyncset.done $0x0  }
0x253: {  	s31 =	rddreg [dreg:$0xe];
	[sflag:s16] =	ssyncadd.s32 $0xFFFFC000  }
0x254: {  	[hbm4b:s31+s2] =	stream.linear.scatter [tilespmem:s14], [sflag:$0x7], $0x4000, $0x38;
	[tilespmem:$0x10D00] =	vst v63  }
0x255: {  	_ =	swait.ge [sflag:s8], $0x4000  }
0x256: {  	s1 =	sld [smem:$0x7FD]  }
0x257: {  	[sflag:s8] =	ssyncset.done $0x0  }
0x258: {  	[sflag:s8] =	ssyncadd.s32 $0xFFFFC000  }
0x259: {  	[tilespmem:s5], [sflag:$0x1] =	stream.indirect.gather [hbm4b:s4+s6], $0x80, s1, s6, $0xb8;
	[tilespmem:$0x10D00] =	vst v63  }
0x25a: {  	_ =	swait.ge [sflag:s15], $0x4000  }
0x25b: {  	[sflag:s15] =	ssyncset.done $0x0  }
0x25c: {  	s31 =	rddreg [dreg:$0xf];
	[sflag:s15] =	ssyncadd.s32 $0xFFFFC000  }
0x25d: {  	[hbm4b:s31+s2] =	stream.linear.scatter [tilespmem:s13], [sflag:$0x8], $0x4000, $0x38;
	[tilespmem:$0x10D00] =	vst v63  }
0x25e: {  	_ =	swait.ge [sflag:s10], $0x4000  }
0x25f: {  	[sflag:s10] =	ssyncset.done $0x0  }
0x260: {  	[sflag:s10] =	ssyncadd.s32 $0xFFFFC000  }
0x261: {  	[tilespmem:s3], [sflag:$0x2] =	stream.indirect.gather [hbm4b:s4+s6], $0x80, s18, s6, $0xb8;
	[tilespmem:$0x10D00] =	vst v63  }
0x262: {  	_ =	swait.ge [sflag:s7], $0x4000  }
0x263: {  	[sflag:s7] =	ssyncset.done $0x0  }
0x264: {  	s1 =	rddreg [dreg:$0x10];
	[sflag:s7] =	ssyncadd.s32 $0xFFFFC000  }
0x265: {  	[hbm4b:s1+s2] =	stream.linear.scatter [tilespmem:s5], [sflag:$0x5], $0x4000, $0x38;
	[tilespmem:$0x10D00] =	vst v63  }
0x266: {  	_ =	swait.ge [sflag:s11], $0x4000  }
0x267: {  	[sflag:s11] =	ssyncset.done $0x0  }
0x268: {  	[sflag:s11] =	ssyncadd.s32 $0xFFFFC000  }
0x269: {  	[tilespmem:s14], [sflag:$0x3] =	stream.indirect.gather [hbm4b:s4+s6], $0x80, s30, s6, $0xb8;
	[tilespmem:$0x10D00] =	vst v63  }
0x26a: {  	_ =	swait.ge [sflag:s9], $0x4000  }
0x26b: {  	[sflag:s9] =	ssyncset.done $0x0  }
0x26c: {  	s18 =	rddreg [dreg:$0x11];
	[sflag:s9] =	ssyncadd.s32 $0xFFFFC000  }
0x26d: {  	[hbm4b:s18+s2] =	stream.linear.scatter [tilespmem:s3], [sflag:$0x6], $0x4000, $0x38;
	[tilespmem:$0x10D00] =	vst v63  }
0x26e: {  	_ =	swait.ge [sflag:s12], $0x4000  }
0x26f: {  	[sflag:s12] =	ssyncset.done $0x0  }
0x270: {  	[sflag:s12] =	ssyncadd.s32 $0xFFFFC000  }
0x271: {  	[tilespmem:s13], [sflag:$0x4] =	stream.indirect.gather [hbm4b:s4+s6], $0x80, s29, s6, $0xb8;
	[tilespmem:$0x10D00] =	vst v63  }
0x272: {  	_ =	swait.ge [sflag:s16], $0x4000  }
0x273: {  	[sflag:s16] =	ssyncset.done $0x0  }
0x274: {  	s29 =	rddreg [dreg:$0x12];
	[sflag:s16] =	ssyncadd.s32 $0xFFFFC000  }
0x275: {  	[hbm4b:s29+s2] =	stream.linear.scatter [tilespmem:s14], [sflag:$0x7], $0x4000, $0x38;
	[tilespmem:$0x10D00] =	vst v63  }
0x276: {  	_ =	swait.ge [sflag:s8], $0x4000  }
0x277: {  	[sflag:s8] =	ssyncset.done $0x0  }
0x278: {  	[sflag:s8] =	ssyncadd.s32 $0xFFFFC000  }
0x279: {  	[tilespmem:s5], [sflag:$0x1] =	stream.indirect.gather [hbm4b:s4+s6], $0x80, s28, s6, $0xb8;
	[tilespmem:$0x10D00] =	vst v63  }
0x27a: {  	_ =	swait.ge [sflag:s15], $0x4000  }
0x27b: {  	[sflag:s15] =	ssyncset.done $0x0  }
0x27c: {  	s30 =	rddreg [dreg:$0x13];
	[sflag:s15] =	ssyncadd.s32 $0xFFFFC000  }
0x27d: {  	[hbm4b:s30+s2] =	stream.linear.scatter [tilespmem:s13], [sflag:$0x8], $0x4000, $0x38;
	[tilespmem:$0x10D00] =	vst v63  }
0x27e: {  	_ =	swait.ge [sflag:s10], $0x4000  }
0x27f: {  	[sflag:s10] =	ssyncset.done $0x0  }
0x280: {  	[sflag:s10] =	ssyncadd.s32 $0xFFFFC000  }
0x281: {  	[tilespmem:s3], [sflag:$0x2] =	stream.indirect.gather [hbm4b:s4+s6], $0x80, s26, s6, $0xb8;
	[tilespmem:$0x10D00] =	vst v63  }
0x282: {  	_ =	swait.ge [sflag:s7], $0x4000  }
0x283: {  	[sflag:s7] =	ssyncset.done $0x0  }
0x284: {  	s31 =	rddreg [dreg:$0x14];
	[sflag:s7] =	ssyncadd.s32 $0xFFFFC000  }
0x285: {  	[hbm4b:s31+s2] =	stream.linear.scatter [tilespmem:s5], [sflag:$0x5], $0x4000, $0x38;
	[tilespmem:$0x10D00] =	vst v63  }
0x286: {  	_ =	swait.ge [sflag:s11], $0x4000  }
0x287: {  	[sflag:s11] =	ssyncset.done $0x0  }
0x288: {  	[sflag:s11] =	ssyncadd.s32 $0xFFFFC000  }
0x289: {  	[tilespmem:s14], [sflag:$0x3] =	stream.indirect.gather [hbm4b:s4+s6], $0x80, s25, s6, $0xb8;
	[tilespmem:$0x10D00] =	vst v63  }
0x28a: {  	_ =	swait.ge [sflag:s9], $0x4000  }
0x28b: {  	[sflag:s9] =	ssyncset.done $0x0  }
0x28c: {  	s1 =	rddreg [dreg:$0x15];
	[sflag:s9] =	ssyncadd.s32 $0xFFFFC000  }
0x28d: {  	[hbm4b:s1+s2] =	stream.linear.scatter [tilespmem:s3], [sflag:$0x6], $0x4000, $0x38;
	[tilespmem:$0x10D00] =	vst v63  }
0x28e: {  	_ =	swait.ge [sflag:s12], $0x4000  }
0x28f: {  	[sflag:s12] =	ssyncset.done $0x0  }
0x290: {  	[sflag:s12] =	ssyncadd.s32 $0xFFFFC000  }
0x291: {  	[tilespmem:s13], [sflag:$0x4] =	stream.indirect.gather [hbm4b:s4+s6], $0x80, s24, s6, $0xb8;
	[tilespmem:$0x10D00] =	vst v63  }
0x292: {  	_ =	swait.ge [sflag:s16], $0x4000  }
0x293: {  	[sflag:s16] =	ssyncset.done $0x0  }
0x294: {  	s18 =	rddreg [dreg:$0x16];
	[sflag:s16] =	ssyncadd.s32 $0xFFFFC000  }
0x295: {  	[hbm4b:s18+s2] =	stream.linear.scatter [tilespmem:s14], [sflag:$0x7], $0x4000, $0x38;
	[tilespmem:$0x10D00] =	vst v63  }
0x296: {  	_ =	swait.ge [sflag:s8], $0x4000  }
0x297: {  	[sflag:s8] =	ssyncset.done $0x0  }
0x298: {  	[sflag:s8] =	ssyncadd.s32 $0xFFFFC000  }
0x299: {  	[tilespmem:s5], [sflag:$0x1] =	stream.indirect.gather [hbm4b:s4+s6], $0x80, s23, s6, $0xb8;
	[tilespmem:$0x10D00] =	vst v63  }
0x29a: {  	_ =	swait.ge [sflag:s15], $0x4000  }
0x29b: {  	[sflag:s15] =	ssyncset.done $0x0  }
0x29c: {  	s23 =	rddreg [dreg:$0x17];
	[sflag:s15] =	ssyncadd.s32 $0xFFFFC000  }
0x29d: {  	[hbm4b:s23+s2] =	stream.linear.scatter [tilespmem:s13], [sflag:$0x8], $0x4000, $0x38;
	[tilespmem:$0x10D00] =	vst v63  }
0x29e: {  	_ =	swait.ge [sflag:s10], $0x4000  }
0x29f: {  	[sflag:s10] =	ssyncset.done $0x0  }
0x2a0: {  	[sflag:s10] =	ssyncadd.s32 $0xFFFFC000  }
0x2a1: {  	[tilespmem:s3], [sflag:$0x2] =	stream.indirect.gather [hbm4b:s4+s6], $0x80, s22, s6, $0xb8;
	[tilespmem:$0x10D00] =	vst v63  }
0x2a2: {  	_ =	swait.ge [sflag:s7], $0x4000  }
0x2a3: {  	[sflag:s7] =	ssyncset.done $0x0  }
0x2a4: {  	s24 =	rddreg [dreg:$0x18];
	[sflag:s7] =	ssyncadd.s32 $0xFFFFC000  }
0x2a5: {  	[hbm4b:s24+s2] =	stream.linear.scatter [tilespmem:s5], [sflag:$0x5], $0x4000, $0x38;
	[tilespmem:$0x10D00] =	vst v63  }
0x2a6: {  	_ =	swait.ge [sflag:s11], $0x4000  }
0x2a7: {  	[sflag:s11] =	ssyncset.done $0x0  }
0x2a8: {  	[sflag:s11] =	ssyncadd.s32 $0xFFFFC000  }
0x2a9: {  	[tilespmem:s14], [sflag:$0x3] =	stream.indirect.gather [hbm4b:s4+s6], $0x80, s21, s6, $0xb8;
	[tilespmem:$0x10D00] =	vst v63  }
0x2aa: {  	_ =	swait.ge [sflag:s9], $0x4000  }
0x2ab: {  	[sflag:s9] =	ssyncset.done $0x0  }
0x2ac: {  	s25 =	rddreg [dreg:$0x19];
	[sflag:s9] =	ssyncadd.s32 $0xFFFFC000  }
0x2ad: {  	[hbm4b:s25+s2] =	stream.linear.scatter [tilespmem:s3], [sflag:$0x6], $0x4000, $0x38;
	[tilespmem:$0x10D00] =	vst v63  }
0x2ae: {  	_ =	swait.ge [sflag:s12], $0x4000  }
0x2af: {  	[sflag:s12] =	ssyncset.done $0x0  }
0x2b0: {  	[sflag:s12] =	ssyncadd.s32 $0xFFFFC000  }
0x2b1: {  	[tilespmem:s13], [sflag:$0x4] =	stream.indirect.gather [hbm4b:s4+s6], $0x80, s20, s6, $0xb8;
	[tilespmem:$0x10D00] =	vst v63  }
0x2b2: {  	_ =	swait.ge [sflag:s16], $0x4000  }
0x2b3: {  	[sflag:s16] =	ssyncset.done $0x0  }
0x2b4: {  	s26 =	rddreg [dreg:$0x1a];
	[sflag:s16] =	ssyncadd.s32 $0xFFFFC000  }
0x2b5: {  	[hbm4b:s26+s2] =	stream.linear.scatter [tilespmem:s14], [sflag:$0x7], $0x4000, $0x38;
	[tilespmem:$0x10D00] =	vst v63  }
0x2b6: {  	_ =	swait.ge [sflag:s8], $0x4000  }
0x2b7: {  	[sflag:s8] =	ssyncset.done $0x0  }
0x2b8: {  	[sflag:s8] =	ssyncadd.s32 $0xFFFFC000  }
0x2b9: {  	[tilespmem:s5], [sflag:$0x1] =	stream.indirect.gather [hbm4b:s4+s6], $0x80, s19, s6, $0xb8;
	[tilespmem:$0x10D00] =	vst v63  }
0x2ba: {  	_ =	swait.ge [sflag:s15], $0x4000  }
0x2bb: {  	[sflag:s15] =	ssyncset.done $0x0  }
0x2bc: {  	s28 =	rddreg [dreg:$0x1b];
	[sflag:s15] =	ssyncadd.s32 $0xFFFFC000  }
0x2bd: {  	[hbm4b:s28+s2] =	stream.linear.scatter [tilespmem:s13], [sflag:$0x8], $0x4000, $0x38;
	[tilespmem:$0x10D00] =	vst v63  }
0x2be: {  	_ =	swait.ge [sflag:s10], $0x4000  }
0x2bf: {  	[sflag:s10] =	ssyncset.done $0x0  }
0x2c0: {  	s29 =	simm.s32 $0xC80;
	[sflag:s10] =	ssyncadd.s32 $0xFFFFC000  }
0x2c1: {  	[tilespmem:s3], [sflag:$0x2] =	stream.indirect.gather [hbm4b:s4+s6], $0x80, s29, s6, $0xb8;
	[tilespmem:$0x10D00] =	vst v63  }
0x2c2: {  	_ =	swait.ge [sflag:s7], $0x4000  }
0x2c3: {  	[sflag:s7] =	ssyncset.done $0x0  }
0x2c4: {  	s30 =	rddreg [dreg:$0x1c];
	[sflag:s7] =	ssyncadd.s32 $0xFFFFC000  }
0x2c5: {  	[hbm4b:s30+s2] =	stream.linear.scatter [tilespmem:s5], [sflag:$0x5], $0x4000, $0x38;
	[tilespmem:$0x10D00] =	vst v63  }
0x2c6: {  	_ =	swait.ge [sflag:s9], $0x4000  }
0x2c7: {  	[sflag:s9] =	ssyncset.done $0x0  }
0x2c8: {  	s31 =	rddreg [dreg:$0x1d];
	[sflag:s9] =	ssyncadd.s32 $0xFFFFC000  }
0x2c9: {  	[hbm4b:s31+s2] =	stream.linear.scatter [tilespmem:s3], [sflag:$0x6], $0x4000, $0x38;
	[tilespmem:$0x10D00] =	vst v63  }
0x2ca: {  	_ =	swait.ge [sflag:s11], $0x4000  }
0x2cb: {  	[sflag:s11] =	ssyncset.done $0x0  }
0x2cc: {  	[sflag:s11] =	ssyncadd.s32 $0xFFFFC000  }
0x2cd: {  	_ =	swait.ge [sflag:s12], $0x4000  }
0x2ce: {  	[sflag:s12] =	ssyncset.done $0x0  }
0x2cf: {  	[sflag:s12] =	ssyncadd.s32 $0xFFFFC000  }
0x2d0: {  	_ =	swait.ge [sflag:s8], $0x4000  }
0x2d1: {  	[sflag:s8] =	ssyncset.done $0x0  }
0x2d2: {  	[sflag:s8] =	ssyncadd.s32 $0xFFFFC000  }
0x2d3: {  	_ =	swait.ge [sflag:s10], $0x4000  }
0x2d4: {  	[sflag:s10] =	ssyncset.done $0x0  }
0x2d5: {  	[sflag:s10] =	ssyncadd.s32 $0xFFFFC000  }
0x2d6: {  	_ =	sfence.sel $0x180000  }
0x2d7: {  	[bflag:$0x0] =	sbarrier.arrive $0xFFFF  }
0x2d8: {  	_ =	strace $0x90000047  }
0x2d9: {  	[bflag:$0x2] =	sbarrier.arrive $0xFFFF  }
0x2da: {  	p0 =	sne.s32 s17, $0x0;
	s0 =	rddreg [dreg:$0x2]  }
0x2db: {  	s0 =	sadd.s32 @!p0 $0x100000, s0  }
0x2dc: {  	[sflag:s0] =	ssyncadd.tile.s32 @!p0 $0x1;
	_ =	shalt  }
.LBB2_1:
.Ltmp3:
0x2dd: {  	(pc) =	sbr.rel .LBB2_6-.Ltmp3, $4  }
0x2de: {  	s18 =	simm.s32 $0x680;
	s30 =	simm.s32 $0x700;
	s29 =	simm.s32 $0x780  }
0x2df: {  	s28 =	simm.s32 $0x800;
	s26 =	simm.s32 $0x880;
	s25 =	simm.s32 $0x900  }
0x2e0: {  	s24 =	simm.s32 $0x980;
	s23 =	simm.s32 $0xA00;
	s22 =	simm.s32 $0xA80  }
0x2e1: {  	s21 =	simm.s32 $0xB00;
	s20 =	simm.s32 $0xB80;
	s19 =	simm.s32 $0xC00  }
.LBB2_3:
.Ltmp4:
0x2e2: {  	s18 =	simm.s32 $0x680;
	(pc) =	sbr.rel .LBB2_6-.Ltmp4, $4  }
0x2e3: {  	s30 =	simm.s32 $0x700;
	s29 =	simm.s32 $0x780;
	s28 =	simm.s32 $0x800  }
0x2e4: {  	s26 =	simm.s32 $0x880;
	s25 =	simm.s32 $0x900;
	s24 =	simm.s32 $0x980  }
0x2e5: {  	s23 =	simm.s32 $0xA00;
	s22 =	simm.s32 $0xA80;
	s21 =	simm.s32 $0xB00  }
0x2e6: {  	s20 =	simm.s32 $0xB80;
	s19 =	simm.s32 $0xC00;
	s17 =	stileid.u32  }
.Lfunc_end2:
_tile_overlayer_lowered:
.L_overlay_start_2:
0x2e7: {  	(tag) =	ssettag $0x2  }
0x2e8: {  	s0 =	rddreg [dreg:$0x0];
	s2 =	stileid.u32  }
0x2e9: {  	s1 =	rddreg [dreg:$0x1];
	p0 =	sne.s32 s2, $0x0  }
0x2ea: {  	s3 =	rddreg [dreg:$0x2];
	[bflag:$0x3] =	sbarrier.arrive $0xFFFF;
	s2 =	simm.s32 @!p0 $0x1C09  }
0x2eb: {  	[timem:s3], [sflag:s2] =	dma.local @!p0 [hbm:s0], s1  }
0x2ec: {  	s0 =	simm.s32 @!p0 $0x9  }
0x2ed: {  	_ =	swait.ge @!p0 [sflag:s0], s1  }
0x2ee: {  	s1 =	ssub.s32 @!p0 $0x0, s1;
	[sflag:s0] =	ssyncset.done @!p0 $0x0  }
0x2ef: {  	[sflag:s0] =	ssyncadd.s32 @!p0 s1  }
0x2f0: {  	[bflag:$0x3] =	sbarrier.arrive $0xFFFF  }
0x2f1: {  	_ =	shalt  }

</sc_bundles>
